<compile_context>
chip_gen: v7x
topology: tpu7x:2x2x1
jax: 0.10.2.dev20260603
libtpu: 0.0.44.dev20260713+nightly
codegen_flags: <defaults>
</compile_context>

<pallas_src>
import functools

import jax
import jax.numpy as jnp
from jax import lax
from jax.experimental import pallas as pl
from jax.experimental.pallas import tpu as pltpu
from jax.experimental.pallas import tpu_sc as plsc

_B = 16384
_BH = _B // 2
_NF = 26
_VS = 100000
_V0 = 49920
_V1 = 50048
_VMAIN = _V0 + _V1
_D = 32
_ROWS = _NF * _D
_NSLAB_EMB = _ROWS // 8
_NSLABS = _NSLAB_EMB + 2
_PER_SC = _NSLAB_EMB // 2

_Q0 = ((0, 12544), (12544, 12544), (25088, 12544), (37632, 12288))
_Q1 = ((49920, 12544), (62464, 12544), (75008, 12544), (87552, 12416))

_mesh = plsc.VectorSubcoreMesh(core_axis_name="c", subcore_axis_name="s")


def _make_kernel():
    @functools.partial(
        pl.kernel,
        out_type=jax.ShapeDtypeStruct((_NSLABS * 8, _B), jnp.float32),
        mesh=_mesh,
        scratch_types=[
            pltpu.MemorySpace.VMEM_SHARED((8, _VMAIN), jnp.float32),
            pltpu.MemorySpace.VMEM_SHARED((8, _B), jnp.float32),
            pltpu.VMEM((_V1 + _D,), jnp.float32),
            pltpu.VMEM((8, _D), jnp.float32),
            pltpu.VMEM((_BH,), jnp.int32),
            pltpu.VMEM((_BH,), jnp.float32),
            pltpu.SemaphoreType.DMA,
            pltpu.SemaphoreType.DMA,
            pltpu.SemaphoreType.DMA,
        ],
        compiler_params=pltpu.CompilerParams(needs_layout_passes=False),
    )
    def _emb_kernel(
        tabT, tab_tail, xcat_flat, xnum_flat, out,
        spm_tab, spm_out, tcol, tailv, idxv, obuf, sem0, sem1, semo,
    ):
        cid = lax.axis_index("c")
        sid = lax.axis_index("s")
        r = sid // 2
        h = sid % 2
        lanes = lax.iota(jnp.int32, 16)
        base = cid * _PER_SC

        def dma_half(a, quarters, sem, action):
            for j, (off, sz) in enumerate(quarters):
                @pl.when(sid == j)
                def _():
                    cp = pltpu.make_async_copy(
                        tabT.at[pl.ds(a * 8, 8), pl.ds(off, sz)],
                        spm_tab.at[pl.ds(0, 8), pl.ds(off, sz)],
                        sem,
                    )
                    if action == "start":
                        cp.start()
                    else:
                        cp.wait()

        def dma_out(a, sem):
            return pltpu.make_async_copy(
                spm_out, out.at[pl.ds(a * 8, 8), :], sem
            )

        dma_half(base, _Q0, sem0, "start")
        dma_half(base, _Q1, sem1, "start")

        def slab_body(k, _):
            a = base + k

            dma_half(a, _Q0, sem0, "wait")
            dma_half(a, _Q1, sem1, "wait")

            @pl.when((sid == 0) & (k > 0))
            def _wait_out():
                dma_out(a - 1, semo).wait()

            plsc.subcore_barrier()

            @pl.when((k == 0) | (a % 4 == 0))
            def _stage_idx():
                i = (a * 8 + r) // _D
                pltpu.sync_copy(
                    xcat_flat.at[pl.ds(i * _B + h * _BH, _BH)], idxv
                )

            pltpu.sync_copy(tab_tail.at[pl.ds(a * 8, 8), :], tailv)

            pltpu.sync_copy(
                spm_tab.at[r, pl.ds(0, _V0)], tcol.at[pl.ds(0, _V0)]
            )
            plsc.subcore_barrier()

            @pl.when(k < _PER_SC - 1)
            def _prefetch0():
                dma_half(a + 1, _Q0, sem0, "start")

            def gather0(g, _):
                for j in range(8):
                    dsl = pl.ds(g * 128 + j * 16, 16)
                    idx16 = idxv[dsl]
                    obuf[dsl] = plsc.load_gather(
                        tcol, [jnp.minimum(idx16, _V0 - 1)]
                    )
                return 0

            lax.fori_loop(0, _BH // 128, gather0, 0)

            pltpu.sync_copy(
                spm_tab.at[r, pl.ds(_V0, _V1)], tcol.at[pl.ds(0, _V1)]
            )
            tcol[pl.ds(_V1, 16)] = tailv[r, pl.ds(0, 16)]
            tcol[pl.ds(_V1 + 16, 16)] = tailv[r, pl.ds(16, 16)]
            plsc.subcore_barrier()

            @pl.when(k < _PER_SC - 1)
            def _prefetch1():
                dma_half(a + 1, _Q1, sem1, "start")

            def gather1(g, _):
                for j in range(8):
                    dsl = pl.ds(g * 128 + j * 16, 16)
                    idx16 = idxv[dsl]
                    o0 = obuf[dsl]
                    rel = jnp.maximum(idx16 - _V0, 0)
                    o1 = plsc.load_gather(tcol, [rel])
                    obuf[dsl] = jnp.where(idx16 >= _V0, o1, o0)
                return 0

            lax.fori_loop(0, _BH // 128, gather1, 0)

            pltpu.sync_copy(obuf, spm_out.at[r, pl.ds(h * _BH, _BH)])
            plsc.subcore_barrier()

            @pl.when(sid == 0)
            def _store_slab():
                dma_out(a, semo).start()

            return 0

        lax.fori_loop(0, _PER_SC, slab_body, 0)

        @pl.when(sid == 0)
        def _drain_out():
            dma_out(base + _PER_SC - 1, semo).wait()

        plsc.subcore_barrier()

        ax = _NSLAB_EMB + cid
        off = (cid * 8 + r) * _B + h * _BH
        pltpu.sync_copy(xnum_flat.at[pl.ds(off, _BH)], obuf)
        pltpu.sync_copy(obuf, spm_out.at[r, pl.ds(h * _BH, _BH)])
        plsc.subcore_barrier()

        @pl.when(sid == 0)
        def _store_xnum():
            pltpu.sync_copy(spm_out, out.at[pl.ds(ax * 8, 8), :])

    return _emb_kernel


_emb_kernel = _make_kernel()


def kernel(x_cat, x_num, tables):
    tabT = tables.transpose(0, 2, 1).reshape(_ROWS, _VS)
    tab_tail = tabT[:, _VMAIN:]
    xcat_flat = x_cat.astype(jnp.int32).T.reshape(-1)
    xnum_flat = jnp.pad(x_num.T, ((0, 3), (0, 0))).reshape(-1)
    outT = _emb_kernel(tabT, tab_tail, xcat_flat, xnum_flat)
    return outT[: _ROWS + 13].T

# --- scband reference (transcript-rebuilt; emitter-appended) ---
"""Pipeline reference for scband-embedding-model-20804821582088 (READ-ONLY COPY).

The authoritative reference and input builder live on the scoring server;
editing this copy changes nothing except your own understanding.
"""

import jax, jax.numpy as jnp
import numpy as np

BATCH = 16384
N_FIELDS = 26
VOCAB = 100000
EMBED_DIM = 32
N_NUM = 13

def setup_inputs(seed: int = 0) -> dict:
    key = jax.random.key(seed)
    k1, k2, k3 = jax.random.split(key, 3)
    x_cat = jax.random.randint(k1, (BATCH, N_FIELDS), 0, VOCAB, dtype=jnp.int64 if jax.config.read('jax_enable_x64') else jnp.int32)
    x_num = jax.random.normal(k2, (BATCH, N_NUM), dtype=jnp.float32)
    # Learned parameters: 26 embedding tables of identical shape, stacked on axis 0.
    tables = jax.random.normal(k3, (N_FIELDS, VOCAB, EMBED_DIM), dtype=jnp.float32)
    return {"x_cat": x_cat, "x_num": x_num, "tables": tables}

def reference(x_cat, x_num, tables):
    # Faithful translation of EmbeddingModel.forward:
    # embd_outputs = [embedding_i(x_cat[:, i]) for each field i]
    embd_outputs = [jnp.take(tables[i], x_cat[:, i], axis=0) for i in range(N_FIELDS)]
    embd_outputs = jnp.concatenate(embd_outputs, axis=1)
    concatenated_outputs = jnp.concatenate((embd_outputs, x_num), axis=1)
    return concatenated_outputs

if __name__ == "__main__":
    import jax
    _d = setup_inputs()
    print(jax.jit(kernel)(*tuple(_d.values())))

</pallas_src>

<mosaic_0001>
#map = affine_map<(d0, d1) -> (0, 0)>
#map1 = affine_map<(d0, d1) -> (0)>
module attributes {stable_mosaic.version = 14 : i64} {
  func.func @_emb_kernel(%arg0: i32, %arg1: i32, %arg2: memref<832x100000xf32, #tpu.memory_space<hbm>>, %arg3: memref<832x32xf32, #tpu.memory_space<hbm>>, %arg4: memref<425984xi32, #tpu.memory_space<hbm>>, %arg5: memref<262144xf32, #tpu.memory_space<hbm>>, %arg6: memref<848x16384xf32, #tpu.memory_space<hbm>>, %arg7: memref<8x99968xf32, #tpu.memory_space<vmem_shared>>, %arg8: memref<8x16384xf32, #tpu.memory_space<vmem_shared>>, %arg9: memref<50080xf32, #tpu.memory_space<vmem>>, %arg10: memref<8x32xf32, #tpu.memory_space<vmem>>, %arg11: memref<8192xi32, #tpu.memory_space<vmem>>, %arg12: memref<8192xf32, #tpu.memory_space<vmem>>, %arg13: memref<!tpu.dma_semaphore, #tpu.memory_space<semaphore_mem>>, %arg14: memref<!tpu.dma_semaphore, #tpu.memory_space<semaphore_mem>>, %arg15: memref<!tpu.dma_semaphore, #tpu.memory_space<semaphore_mem>>) attributes {dimension_semantics = [#tpu.dimension_semantics<core_parallel>, #tpu.dimension_semantics<subcore_parallel>], iteration_bounds = array<i64: 2, 16>, scalar_prefetch = 0 : i64, scratch_operands = 9 : i64, tpu.core_type = #tpu.core_type<sc_vector_subcore>, window_params = [{transform_indices = #map}, {transform_indices = #map}, {transform_indices = #map1}, {transform_indices = #map1}, {transform_indices = #map}]} {
    %jit3A = arith.constant 2 : i32
    %div3A = arith.divsi %arg1, %jit3A : i32
    %sign3A = arith.constant 0 : i32
    %sign3A_0 = arith.cmpi sgt, %arg1, %sign3A : i32
    %sign3A_1 = arith.extui %sign3A_0 : i1 to i32
    %sign3A_2 = arith.constant 0 : i32
    %sign3A_3 = arith.cmpi slt, %arg1, %sign3A_2 : i32
    %sign3A_4 = arith.extui %sign3A_3 : i1 to i32
    %sign3A_5 = arith.subi %sign3A_1, %sign3A_4 : i32
    %sign3A_6 = arith.constant 0 : i32
    %sign3A_7 = arith.cmpi sgt, %jit3A, %sign3A_6 : i32
    %sign3A_8 = arith.extui %sign3A_7 : i1 to i32
    %sign3A_9 = arith.constant 0 : i32
    %sign3A_10 = arith.cmpi slt, %jit3A, %sign3A_9 : i32
    %sign3A_11 = arith.extui %sign3A_10 : i1 to i32
    %sign3A_12 = arith.subi %sign3A_8, %sign3A_11 : i32
    %ne3A = arith.cmpi ne, %sign3A_5, %sign3A_12 : i32
    %rem3A = arith.remsi %arg1, %jit3A : i32
    %ne3A_13 = arith.constant 0 : i32
    %ne3A_14 = arith.cmpi ne, %rem3A, %ne3A_13 : i32
    %and3A = arith.andi %ne3A, %ne3A_14 : i1
    %sub3A = arith.constant 1 : i32
    %sub3A_15 = arith.subi %div3A, %sub3A : i32
    %select_n3A = arith.select %and3A, %sub3A_15, %div3A : i32
    %jit3A_16 = arith.constant 2 : i32
    %eq3A = arith.constant 0 : i32
    %eq3A_17 = arith.cmpi eq, %jit3A_16, %eq3A : i32
    %jit3A_18 = arith.constant 1 : i32
    %select_n3A_19 = arith.select %eq3A_17, %jit3A_18, %jit3A_16 : i32
    %rem3A_20 = arith.remsi %arg1, %select_n3A_19 : i32
    %ne3A_21 = arith.constant 0 : i32
    %ne3A_22 = arith.cmpi ne, %rem3A_20, %ne3A_21 : i32
    %lt3A = arith.constant 0 : i32
    %lt3A_23 = arith.cmpi slt, %rem3A_20, %lt3A : i32
    %lt3A_24 = arith.constant 0 : i32
    %lt3A_25 = arith.cmpi slt, %select_n3A_19, %lt3A_24 : i32
    %ne3A_26 = arith.xori %lt3A_23, %lt3A_25 : i1
    %and3A_27 = arith.andi %ne3A_26, %ne3A_22 : i1
    %add3A = arith.addi %rem3A_20, %select_n3A_19 : i32
    %select_n3A_28 = arith.select %and3A_27, %add3A, %rem3A_20 : i32
    %iota3A = tpu.iota {dimensions = array<i32: 0>} : vector<16xi32>
    %mul3A = arith.constant 52 : i32
    %mul3A_29 = arith.muli %arg0, %mul3A : i32
    %eq3A_30 = arith.constant 0 : i32
    %eq3A_31 = arith.cmpi eq, %arg1, %eq3A_30 : i32
    %convert_element_type3A = arith.extui %eq3A_31 : i1 to i32
    %cond3A = arith.constant 0 : i32
    %cond3A_32 = arith.cmpi ne, %convert_element_type3A, %cond3A : i32
    scf.if %cond3A_32 {
      %mul3A_97 = arith.constant 8 : i32
      %mul3A_98 = arith.muli %mul3A_29, %mul3A_97 : i32
      %dma_start3A = arith.constant 0 : i32
      %dma_start3A_99 = arith.constant 0 : i32
      %dma_start3A_100 = tpu.memref_slice %arg7[%dma_start3A, %dma_start3A_99] : memref<8x99968xf32, #tpu.memory_space<vmem_shared>> -> memref<8x12544xf32, #tpu.memory_space<vmem_shared>>
      %dma_start3A_101 = arith.constant 0 : i32
      %dma_start3A_102 = tpu.memref_slice %arg2[%mul3A_98, %dma_start3A_101] : memref<832x100000xf32, #tpu.memory_space<hbm>> -> memref<8x12544xf32, #tpu.memory_space<hbm>>
      tpu.enqueue_dma source(%dma_start3A_102 : memref<8x12544xf32, #tpu.memory_space<hbm>>) target(%dma_start3A_100 : memref<8x12544xf32, #tpu.memory_space<vmem_shared>>) target_semaphore(%arg13 : memref<!tpu.dma_semaphore, #tpu.memory_space<semaphore_mem>>)
    } else {
    }
    %eq3A_33 = arith.constant 1 : i32
    %eq3A_34 = arith.cmpi eq, %arg1, %eq3A_33 : i32
    %convert_element_type3A_35 = arith.extui %eq3A_34 : i1 to i32
    %cond3A_36 = arith.constant 0 : i32
    %cond3A_37 = arith.cmpi ne, %convert_element_type3A_35, %cond3A_36 : i32
    scf.if %cond3A_37 {
      %mul3A_97 = arith.constant 8 : i32
      %mul3A_98 = arith.muli %mul3A_29, %mul3A_97 : i32
      %dma_start3A = arith.constant 0 : i32
      %dma_start3A_99 = arith.constant 12544 : i32
      %dma_start3A_100 = tpu.memref_slice %arg7[%dma_start3A, %dma_start3A_99] : memref<8x99968xf32, #tpu.memory_space<vmem_shared>> -> memref<8x12544xf32, #tpu.memory_space<vmem_shared>>
      %dma_start3A_101 = arith.constant 12544 : i32
      %dma_start3A_102 = tpu.memref_slice %arg2[%mul3A_98, %dma_start3A_101] : memref<832x100000xf32, #tpu.memory_space<hbm>> -> memref<8x12544xf32, #tpu.memory_space<hbm>>
      tpu.enqueue_dma source(%dma_start3A_102 : memref<8x12544xf32, #tpu.memory_space<hbm>>) target(%dma_start3A_100 : memref<8x12544xf32, #tpu.memory_space<vmem_shared>>) target_semaphore(%arg13 : memref<!tpu.dma_semaphore, #tpu.memory_space<semaphore_mem>>)
    } else {
    }
    %eq3A_38 = arith.constant 2 : i32
    %eq3A_39 = arith.cmpi eq, %arg1, %eq3A_38 : i32
    %convert_element_type3A_40 = arith.extui %eq3A_39 : i1 to i32
    %cond3A_41 = arith.constant 0 : i32
    %cond3A_42 = arith.cmpi ne, %convert_element_type3A_40, %cond3A_41 : i32
    scf.if %cond3A_42 {
      %mul3A_97 = arith.constant 8 : i32
      %mul3A_98 = arith.muli %mul3A_29, %mul3A_97 : i32
      %dma_start3A = arith.constant 0 : i32
      %dma_start3A_99 = arith.constant 25088 : i32
      %dma_start3A_100 = tpu.memref_slice %arg7[%dma_start3A, %dma_start3A_99] : memref<8x99968xf32, #tpu.memory_space<vmem_shared>> -> memref<8x12544xf32, #tpu.memory_space<vmem_shared>>
      %dma_start3A_101 = arith.constant 25088 : i32
      %dma_start3A_102 = tpu.memref_slice %arg2[%mul3A_98, %dma_start3A_101] : memref<832x100000xf32, #tpu.memory_space<hbm>> -> memref<8x12544xf32, #tpu.memory_space<hbm>>
      tpu.enqueue_dma source(%dma_start3A_102 : memref<8x12544xf32, #tpu.memory_space<hbm>>) target(%dma_start3A_100 : memref<8x12544xf32, #tpu.memory_space<vmem_shared>>) target_semaphore(%arg13 : memref<!tpu.dma_semaphore, #tpu.memory_space<semaphore_mem>>)
    } else {
    }
    %eq3A_43 = arith.constant 3 : i32
    %eq3A_44 = arith.cmpi eq, %arg1, %eq3A_43 : i32
    %convert_element_type3A_45 = arith.extui %eq3A_44 : i1 to i32
    %cond3A_46 = arith.constant 0 : i32
    %cond3A_47 = arith.cmpi ne, %convert_element_type3A_45, %cond3A_46 : i32
    scf.if %cond3A_47 {
      %mul3A_97 = arith.constant 8 : i32
      %mul3A_98 = arith.muli %mul3A_29, %mul3A_97 : i32
      %dma_start3A = arith.constant 0 : i32
      %dma_start3A_99 = arith.constant 37632 : i32
      %dma_start3A_100 = tpu.memref_slice %arg7[%dma_start3A, %dma_start3A_99] : memref<8x99968xf32, #tpu.memory_space<vmem_shared>> -> memref<8x12288xf32, #tpu.memory_space<vmem_shared>>
      %dma_start3A_101 = arith.constant 37632 : i32
      %dma_start3A_102 = tpu.memref_slice %arg2[%mul3A_98, %dma_start3A_101] : memref<832x100000xf32, #tpu.memory_space<hbm>> -> memref<8x12288xf32, #tpu.memory_space<hbm>>
      tpu.enqueue_dma source(%dma_start3A_102 : memref<8x12288xf32, #tpu.memory_space<hbm>>) target(%dma_start3A_100 : memref<8x12288xf32, #tpu.memory_space<vmem_shared>>) target_semaphore(%arg13 : memref<!tpu.dma_semaphore, #tpu.memory_space<semaphore_mem>>)
    } else {
    }
    %eq3A_48 = arith.constant 0 : i32
    %eq3A_49 = arith.cmpi eq, %arg1, %eq3A_48 : i32
    %convert_element_type3A_50 = arith.extui %eq3A_49 : i1 to i32
    %cond3A_51 = arith.constant 0 : i32
    %cond3A_52 = arith.cmpi ne, %convert_element_type3A_50, %cond3A_51 : i32
    scf.if %cond3A_52 {
      %mul3A_97 = arith.constant 8 : i32
      %mul3A_98 = arith.muli %mul3A_29, %mul3A_97 : i32
      %dma_start3A = arith.constant 0 : i32
      %dma_start3A_99 = arith.constant 49920 : i32
      %dma_start3A_100 = tpu.memref_slice %arg7[%dma_start3A, %dma_start3A_99] : memref<8x99968xf32, #tpu.memory_space<vmem_shared>> -> memref<8x12544xf32, #tpu.memory_space<vmem_shared>>
      %dma_start3A_101 = arith.constant 49920 : i32
      %dma_start3A_102 = tpu.memref_slice %arg2[%mul3A_98, %dma_start3A_101] : memref<832x100000xf32, #tpu.memory_space<hbm>> -> memref<8x12544xf32, #tpu.memory_space<hbm>>
      tpu.enqueue_dma source(%dma_start3A_102 : memref<8x12544xf32, #tpu.memory_space<hbm>>) target(%dma_start3A_100 : memref<8x12544xf32, #tpu.memory_space<vmem_shared>>) target_semaphore(%arg14 : memref<!tpu.dma_semaphore, #tpu.memory_space<semaphore_mem>>)
    } else {
    }
    %eq3A_53 = arith.constant 1 : i32
    %eq3A_54 = arith.cmpi eq, %arg1, %eq3A_53 : i32
    %convert_element_type3A_55 = arith.extui %eq3A_54 : i1 to i32
    %cond3A_56 = arith.constant 0 : i32
    %cond3A_57 = arith.cmpi ne, %convert_element_type3A_55, %cond3A_56 : i32
    scf.if %cond3A_57 {
      %mul3A_97 = arith.constant 8 : i32
      %mul3A_98 = arith.muli %mul3A_29, %mul3A_97 : i32
      %dma_start3A = arith.constant 0 : i32
      %dma_start3A_99 = arith.constant 62464 : i32
      %dma_start3A_100 = tpu.memref_slice %arg7[%dma_start3A, %dma_start3A_99] : memref<8x99968xf32, #tpu.memory_space<vmem_shared>> -> memref<8x12544xf32, #tpu.memory_space<vmem_shared>>
      %dma_start3A_101 = arith.constant 62464 : i32
      %dma_start3A_102 = tpu.memref_slice %arg2[%mul3A_98, %dma_start3A_101] : memref<832x100000xf32, #tpu.memory_space<hbm>> -> memref<8x12544xf32, #tpu.memory_space<hbm>>
      tpu.enqueue_dma source(%dma_start3A_102 : memref<8x12544xf32, #tpu.memory_space<hbm>>) target(%dma_start3A_100 : memref<8x12544xf32, #tpu.memory_space<vmem_shared>>) target_semaphore(%arg14 : memref<!tpu.dma_semaphore, #tpu.memory_space<semaphore_mem>>)
    } else {
    }
    %eq3A_58 = arith.constant 2 : i32
    %eq3A_59 = arith.cmpi eq, %arg1, %eq3A_58 : i32
    %convert_element_type3A_60 = arith.extui %eq3A_59 : i1 to i32
    %cond3A_61 = arith.constant 0 : i32
    %cond3A_62 = arith.cmpi ne, %convert_element_type3A_60, %cond3A_61 : i32
    scf.if %cond3A_62 {
      %mul3A_97 = arith.constant 8 : i32
      %mul3A_98 = arith.muli %mul3A_29, %mul3A_97 : i32
      %dma_start3A = arith.constant 0 : i32
      %dma_start3A_99 = arith.constant 75008 : i32
      %dma_start3A_100 = tpu.memref_slice %arg7[%dma_start3A, %dma_start3A_99] : memref<8x99968xf32, #tpu.memory_space<vmem_shared>> -> memref<8x12544xf32, #tpu.memory_space<vmem_shared>>
      %dma_start3A_101 = arith.constant 75008 : i32
      %dma_start3A_102 = tpu.memref_slice %arg2[%mul3A_98, %dma_start3A_101] : memref<832x100000xf32, #tpu.memory_space<hbm>> -> memref<8x12544xf32, #tpu.memory_space<hbm>>
      tpu.enqueue_dma source(%dma_start3A_102 : memref<8x12544xf32, #tpu.memory_space<hbm>>) target(%dma_start3A_100 : memref<8x12544xf32, #tpu.memory_space<vmem_shared>>) target_semaphore(%arg14 : memref<!tpu.dma_semaphore, #tpu.memory_space<semaphore_mem>>)
    } else {
    }
    %eq3A_63 = arith.constant 3 : i32
    %eq3A_64 = arith.cmpi eq, %arg1, %eq3A_63 : i32
    %convert_element_type3A_65 = arith.extui %eq3A_64 : i1 to i32
    %cond3A_66 = arith.constant 0 : i32
    %cond3A_67 = arith.cmpi ne, %convert_element_type3A_65, %cond3A_66 : i32
    scf.if %cond3A_67 {
      %mul3A_97 = arith.constant 8 : i32
      %mul3A_98 = arith.muli %mul3A_29, %mul3A_97 : i32
      %dma_start3A = arith.constant 0 : i32
      %dma_start3A_99 = arith.constant 87552 : i32
      %dma_start3A_100 = tpu.memref_slice %arg7[%dma_start3A, %dma_start3A_99] : memref<8x99968xf32, #tpu.memory_space<vmem_shared>> -> memref<8x12416xf32, #tpu.memory_space<vmem_shared>>
      %dma_start3A_101 = arith.constant 87552 : i32
      %dma_start3A_102 = tpu.memref_slice %arg2[%mul3A_98, %dma_start3A_101] : memref<832x100000xf32, #tpu.memory_space<hbm>> -> memref<8x12416xf32, #tpu.memory_space<hbm>>
      tpu.enqueue_dma source(%dma_start3A_102 : memref<8x12416xf32, #tpu.memory_space<hbm>>) target(%dma_start3A_100 : memref<8x12416xf32, #tpu.memory_space<vmem_shared>>) target_semaphore(%arg14 : memref<!tpu.dma_semaphore, #tpu.memory_space<semaphore_mem>>)
    } else {
    }
    %scan3A = arith.constant 0 : i32
    %scan3A_68 = arith.constant 0 : i32
    %scan3A_69 = arith.constant 52 : i32
    %scan3A_70 = arith.addi %scan3A_68, %scan3A_69 : i32
    %scan3A_71 = arith.constant 1 : i32
    %scan3A_72 = scf.for %scan3A_97 = %scan3A_68 to %scan3A_70 step %scan3A_71 iter_args(%scan3A_98 = %scan3A) -> (i32)  : i32 {
      %add3A_99 = arith.addi %mul3A_29, %scan3A_97 : i32
      %eq3A_100 = arith.constant 0 : i32
      %eq3A_101 = arith.cmpi eq, %arg1, %eq3A_100 : i32
      %convert_element_type3A_102 = arith.extui %eq3A_101 : i1 to i32
      %cond3A_103 = arith.constant 0 : i32
      %cond3A_104 = arith.cmpi ne, %convert_element_type3A_102, %cond3A_103 : i32
      scf.if %cond3A_104 {
        %mul3A_216 = arith.constant 8 : i32
        %mul3A_217 = arith.muli %add3A_99, %mul3A_216 : i32
        %dma_wait3A = arith.constant 0 : i32
        %dma_wait3A_218 = arith.constant 0 : i32
        %dma_wait3A_219 = tpu.memref_slice %arg7[%dma_wait3A, %dma_wait3A_218] : memref<8x99968xf32, #tpu.memory_space<vmem_shared>> -> memref<8x12544xf32, #tpu.memory_space<vmem_shared>>
        %dma_wait3A_220 = arith.constant 0 : i32
        %dma_wait3A_221 = tpu.memref_slice %arg2[%mul3A_217, %dma_wait3A_220] : memref<832x100000xf32, #tpu.memory_space<hbm>> -> memref<8x12544xf32, #tpu.memory_space<hbm>>
        tpu.wait_dma2 semaphore(%arg13 : memref<!tpu.dma_semaphore, #tpu.memory_space<semaphore_mem>>) src(%dma_wait3A_221 : memref<8x12544xf32, #tpu.memory_space<hbm>>) dst(%dma_wait3A_219 : memref<8x12544xf32, #tpu.memory_space<vmem_shared>>)
      } else {
      }
      %eq3A_105 = arith.constant 1 : i32
      %eq3A_106 = arith.cmpi eq, %arg1, %eq3A_105 : i32
      %convert_element_type3A_107 = arith.extui %eq3A_106 : i1 to i32
      %cond3A_108 = arith.constant 0 : i32
      %cond3A_109 = arith.cmpi ne, %convert_element_type3A_107, %cond3A_108 : i32
      scf.if %cond3A_109 {
        %mul3A_216 = arith.constant 8 : i32
        %mul3A_217 = arith.muli %add3A_99, %mul3A_216 : i32
        %dma_wait3A = arith.constant 0 : i32
        %dma_wait3A_218 = arith.constant 12544 : i32
        %dma_wait3A_219 = tpu.memref_slice %arg7[%dma_wait3A, %dma_wait3A_218] : memref<8x99968xf32, #tpu.memory_space<vmem_shared>> -> memref<8x12544xf32, #tpu.memory_space<vmem_shared>>
        %dma_wait3A_220 = arith.constant 12544 : i32
        %dma_wait3A_221 = tpu.memref_slice %arg2[%mul3A_217, %dma_wait3A_220] : memref<832x100000xf32, #tpu.memory_space<hbm>> -> memref<8x12544xf32, #tpu.memory_space<hbm>>
        tpu.wait_dma2 semaphore(%arg13 : memref<!tpu.dma_semaphore, #tpu.memory_space<semaphore_mem>>) src(%dma_wait3A_221 : memref<8x12544xf32, #tpu.memory_space<hbm>>) dst(%dma_wait3A_219 : memref<8x12544xf32, #tpu.memory_space<vmem_shared>>)
      } else {
      }
      %eq3A_110 = arith.constant 2 : i32
      %eq3A_111 = arith.cmpi eq, %arg1, %eq3A_110 : i32
      %convert_element_type3A_112 = arith.extui %eq3A_111 : i1 to i32
      %cond3A_113 = arith.constant 0 : i32
      %cond3A_114 = arith.cmpi ne, %convert_element_type3A_112, %cond3A_113 : i32
      scf.if %cond3A_114 {
        %mul3A_216 = arith.constant 8 : i32
        %mul3A_217 = arith.muli %add3A_99, %mul3A_216 : i32
        %dma_wait3A = arith.constant 0 : i32
        %dma_wait3A_218 = arith.constant 25088 : i32
        %dma_wait3A_219 = tpu.memref_slice %arg7[%dma_wait3A, %dma_wait3A_218] : memref<8x99968xf32, #tpu.memory_space<vmem_shared>> -> memref<8x12544xf32, #tpu.memory_space<vmem_shared>>
        %dma_wait3A_220 = arith.constant 25088 : i32
        %dma_wait3A_221 = tpu.memref_slice %arg2[%mul3A_217, %dma_wait3A_220] : memref<832x100000xf32, #tpu.memory_space<hbm>> -> memref<8x12544xf32, #tpu.memory_space<hbm>>
        tpu.wait_dma2 semaphore(%arg13 : memref<!tpu.dma_semaphore, #tpu.memory_space<semaphore_mem>>) src(%dma_wait3A_221 : memref<8x12544xf32, #tpu.memory_space<hbm>>) dst(%dma_wait3A_219 : memref<8x12544xf32, #tpu.memory_space<vmem_shared>>)
      } else {
      }
      %eq3A_115 = arith.constant 3 : i32
      %eq3A_116 = arith.cmpi eq, %arg1, %eq3A_115 : i32
      %convert_element_type3A_117 = arith.extui %eq3A_116 : i1 to i32
      %cond3A_118 = arith.constant 0 : i32
      %cond3A_119 = arith.cmpi ne, %convert_element_type3A_117, %cond3A_118 : i32
      scf.if %cond3A_119 {
        %mul3A_216 = arith.constant 8 : i32
        %mul3A_217 = arith.muli %add3A_99, %mul3A_216 : i32
        %dma_wait3A = arith.constant 0 : i32
        %dma_wait3A_218 = arith.constant 37632 : i32
        %dma_wait3A_219 = tpu.memref_slice %arg7[%dma_wait3A, %dma_wait3A_218] : memref<8x99968xf32, #tpu.memory_space<vmem_shared>> -> memref<8x12288xf32, #tpu.memory_space<vmem_shared>>
        %dma_wait3A_220 = arith.constant 37632 : i32
        %dma_wait3A_221 = tpu.memref_slice %arg2[%mul3A_217, %dma_wait3A_220] : memref<832x100000xf32, #tpu.memory_space<hbm>> -> memref<8x12288xf32, #tpu.memory_space<hbm>>
        tpu.wait_dma2 semaphore(%arg13 : memref<!tpu.dma_semaphore, #tpu.memory_space<semaphore_mem>>) src(%dma_wait3A_221 : memref<8x12288xf32, #tpu.memory_space<hbm>>) dst(%dma_wait3A_219 : memref<8x12288xf32, #tpu.memory_space<vmem_shared>>)
      } else {
      }
      %eq3A_120 = arith.constant 0 : i32
      %eq3A_121 = arith.cmpi eq, %arg1, %eq3A_120 : i32
      %convert_element_type3A_122 = arith.extui %eq3A_121 : i1 to i32
      %cond3A_123 = arith.constant 0 : i32
      %cond3A_124 = arith.cmpi ne, %convert_element_type3A_122, %cond3A_123 : i32
      scf.if %cond3A_124 {
        %mul3A_216 = arith.constant 8 : i32
        %mul3A_217 = arith.muli %add3A_99, %mul3A_216 : i32
        %dma_wait3A = arith.constant 0 : i32
        %dma_wait3A_218 = arith.constant 49920 : i32
        %dma_wait3A_219 = tpu.memref_slice %arg7[%dma_wait3A, %dma_wait3A_218] : memref<8x99968xf32, #tpu.memory_space<vmem_shared>> -> memref<8x12544xf32, #tpu.memory_space<vmem_shared>>
        %dma_wait3A_220 = arith.constant 49920 : i32
        %dma_wait3A_221 = tpu.memref_slice %arg2[%mul3A_217, %dma_wait3A_220] : memref<832x100000xf32, #tpu.memory_space<hbm>> -> memref<8x12544xf32, #tpu.memory_space<hbm>>
        tpu.wait_dma2 semaphore(%arg14 : memref<!tpu.dma_semaphore, #tpu.memory_space<semaphore_mem>>) src(%dma_wait3A_221 : memref<8x12544xf32, #tpu.memory_space<hbm>>) dst(%dma_wait3A_219 : memref<8x12544xf32, #tpu.memory_space<vmem_shared>>)
      } else {
      }
      %eq3A_125 = arith.constant 1 : i32
      %eq3A_126 = arith.cmpi eq, %arg1, %eq3A_125 : i32
      %convert_element_type3A_127 = arith.extui %eq3A_126 : i1 to i32
      %cond3A_128 = arith.constant 0 : i32
      %cond3A_129 = arith.cmpi ne, %convert_element_type3A_127, %cond3A_128 : i32
      scf.if %cond3A_129 {
        %mul3A_216 = arith.constant 8 : i32
        %mul3A_217 = arith.muli %add3A_99, %mul3A_216 : i32
        %dma_wait3A = arith.constant 0 : i32
        %dma_wait3A_218 = arith.constant 62464 : i32
        %dma_wait3A_219 = tpu.memref_slice %arg7[%dma_wait3A, %dma_wait3A_218] : memref<8x99968xf32, #tpu.memory_space<vmem_shared>> -> memref<8x12544xf32, #tpu.memory_space<vmem_shared>>
        %dma_wait3A_220 = arith.constant 62464 : i32
        %dma_wait3A_221 = tpu.memref_slice %arg2[%mul3A_217, %dma_wait3A_220] : memref<832x100000xf32, #tpu.memory_space<hbm>> -> memref<8x12544xf32, #tpu.memory_space<hbm>>
        tpu.wait_dma2 semaphore(%arg14 : memref<!tpu.dma_semaphore, #tpu.memory_space<semaphore_mem>>) src(%dma_wait3A_221 : memref<8x12544xf32, #tpu.memory_space<hbm>>) dst(%dma_wait3A_219 : memref<8x12544xf32, #tpu.memory_space<vmem_shared>>)
      } else {
      }
      %eq3A_130 = arith.constant 2 : i32
      %eq3A_131 = arith.cmpi eq, %arg1, %eq3A_130 : i32
      %convert_element_type3A_132 = arith.extui %eq3A_131 : i1 to i32
      %cond3A_133 = arith.constant 0 : i32
      %cond3A_134 = arith.cmpi ne, %convert_element_type3A_132, %cond3A_133 : i32
      scf.if %cond3A_134 {
        %mul3A_216 = arith.constant 8 : i32
        %mul3A_217 = arith.muli %add3A_99, %mul3A_216 : i32
        %dma_wait3A = arith.constant 0 : i32
        %dma_wait3A_218 = arith.constant 75008 : i32
        %dma_wait3A_219 = tpu.memref_slice %arg7[%dma_wait3A, %dma_wait3A_218] : memref<8x99968xf32, #tpu.memory_space<vmem_shared>> -> memref<8x12544xf32, #tpu.memory_space<vmem_shared>>
        %dma_wait3A_220 = arith.constant 75008 : i32
        %dma_wait3A_221 = tpu.memref_slice %arg2[%mul3A_217, %dma_wait3A_220] : memref<832x100000xf32, #tpu.memory_space<hbm>> -> memref<8x12544xf32, #tpu.memory_space<hbm>>
        tpu.wait_dma2 semaphore(%arg14 : memref<!tpu.dma_semaphore, #tpu.memory_space<semaphore_mem>>) src(%dma_wait3A_221 : memref<8x12544xf32, #tpu.memory_space<hbm>>) dst(%dma_wait3A_219 : memref<8x12544xf32, #tpu.memory_space<vmem_shared>>)
      } else {
      }
      %eq3A_135 = arith.constant 3 : i32
      %eq3A_136 = arith.cmpi eq, %arg1, %eq3A_135 : i32
      %convert_element_type3A_137 = arith.extui %eq3A_136 : i1 to i32
      %cond3A_138 = arith.constant 0 : i32
      %cond3A_139 = arith.cmpi ne, %convert_element_type3A_137, %cond3A_138 : i32
      scf.if %cond3A_139 {
        %mul3A_216 = arith.constant 8 : i32
        %mul3A_217 = arith.muli %add3A_99, %mul3A_216 : i32
        %dma_wait3A = arith.constant 0 : i32
        %dma_wait3A_218 = arith.constant 87552 : i32
        %dma_wait3A_219 = tpu.memref_slice %arg7[%dma_wait3A, %dma_wait3A_218] : memref<8x99968xf32, #tpu.memory_space<vmem_shared>> -> memref<8x12416xf32, #tpu.memory_space<vmem_shared>>
        %dma_wait3A_220 = arith.constant 87552 : i32
        %dma_wait3A_221 = tpu.memref_slice %arg2[%mul3A_217, %dma_wait3A_220] : memref<832x100000xf32, #tpu.memory_space<hbm>> -> memref<8x12416xf32, #tpu.memory_space<hbm>>
        tpu.wait_dma2 semaphore(%arg14 : memref<!tpu.dma_semaphore, #tpu.memory_space<semaphore_mem>>) src(%dma_wait3A_221 : memref<8x12416xf32, #tpu.memory_space<hbm>>) dst(%dma_wait3A_219 : memref<8x12416xf32, #tpu.memory_space<vmem_shared>>)
      } else {
      }
      %eq3A_140 = arith.constant 0 : i32
      %eq3A_141 = arith.cmpi eq, %arg1, %eq3A_140 : i32
      %gt3A = arith.constant 0 : i32
      %gt3A_142 = arith.cmpi sgt, %scan3A_97, %gt3A : i32
      %and3A_143 = arith.andi %eq3A_141, %gt3A_142 : i1
      %convert_element_type3A_144 = arith.extui %and3A_143 : i1 to i32
      %cond3A_145 = arith.constant 0 : i32
      %cond3A_146 = arith.cmpi ne, %convert_element_type3A_144, %cond3A_145 : i32
      scf.if %cond3A_146 {
        %sub3A_216 = arith.constant 1 : i32
        %sub3A_217 = arith.subi %add3A_99, %sub3A_216 : i32
        %mul3A_218 = arith.constant 8 : i32
        %mul3A_219 = arith.muli %sub3A_217, %mul3A_218 : i32
        %dma_wait3A = arith.constant 0 : i32
        %dma_wait3A_220 = tpu.memref_slice %arg6[%mul3A_219, %dma_wait3A] : memref<848x16384xf32, #tpu.memory_space<hbm>> -> memref<8x16384xf32, #tpu.memory_space<hbm>>
        tpu.wait_dma2 semaphore(%arg15 : memref<!tpu.dma_semaphore, #tpu.memory_space<semaphore_mem>>) src(%arg8 : memref<8x16384xf32, #tpu.memory_space<vmem_shared>>) dst(%dma_wait3A_220 : memref<8x16384xf32, #tpu.memory_space<hbm>>)
      } else {
      }
      %barrier3A_147 = arith.constant 0 : index
      tpu.barrier barrier_id(%barrier3A_147)
      %eq3A_148 = arith.constant 0 : i32
      %eq3A_149 = arith.cmpi eq, %scan3A_97, %eq3A_148 : i32
      %jit3A_150 = arith.constant 4 : i32
      %eq3A_151 = arith.constant 0 : i32
      %eq3A_152 = arith.cmpi eq, %jit3A_150, %eq3A_151 : i32
      %jit3A_153 = arith.constant 1 : i32
      %select_n3A_154 = arith.select %eq3A_152, %jit3A_153, %jit3A_150 : i32
      %rem3A_155 = arith.remsi %add3A_99, %select_n3A_154 : i32
      %ne3A_156 = arith.constant 0 : i32
      %ne3A_157 = arith.cmpi ne, %rem3A_155, %ne3A_156 : i32
      %lt3A_158 = arith.constant 0 : i32
      %lt3A_159 = arith.cmpi slt, %rem3A_155, %lt3A_158 : i32
      %lt3A_160 = arith.constant 0 : i32
      %lt3A_161 = arith.cmpi slt, %select_n3A_154, %lt3A_160 : i32
      %ne3A_162 = arith.xori %lt3A_159, %lt3A_161 : i1
      %and3A_163 = arith.andi %ne3A_162, %ne3A_157 : i1
      %add3A_164 = arith.addi %rem3A_155, %select_n3A_154 : i32
      %select_n3A_165 = arith.select %and3A_163, %add3A_164, %rem3A_155 : i32
      %eq3A_166 = arith.constant 0 : i32
      %eq3A_167 = arith.cmpi eq, %select_n3A_165, %eq3A_166 : i32
      %or3A = arith.ori %eq3A_149, %eq3A_167 : i1
      %convert_element_type3A_168 = arith.extui %or3A : i1 to i32
      %cond3A_169 = arith.constant 0 : i32
      %cond3A_170 = arith.cmpi ne, %convert_element_type3A_168, %cond3A_169 : i32
      scf.if %cond3A_170 {
        %mul3A_216 = arith.constant 8 : i32
        %mul3A_217 = arith.muli %add3A_99, %mul3A_216 : i32
        %add3A_218 = arith.addi %mul3A_217, %select_n3A : i32
        %jit3A_219 = arith.constant 32 : i32
        %div3A_220 = arith.divsi %add3A_218, %jit3A_219 : i32
        %sign3A_221 = arith.constant 0 : i32
        %sign3A_222 = arith.cmpi sgt, %add3A_218, %sign3A_221 : i32
        %sign3A_223 = arith.extui %sign3A_222 : i1 to i32
        %sign3A_224 = arith.constant 0 : i32
        %sign3A_225 = arith.cmpi slt, %add3A_218, %sign3A_224 : i32
        %sign3A_226 = arith.extui %sign3A_225 : i1 to i32
        %sign3A_227 = arith.subi %sign3A_223, %sign3A_226 : i32
        %sign3A_228 = arith.constant 0 : i32
        %sign3A_229 = arith.cmpi sgt, %jit3A_219, %sign3A_228 : i32
        %sign3A_230 = arith.extui %sign3A_229 : i1 to i32
        %sign3A_231 = arith.constant 0 : i32
        %sign3A_232 = arith.cmpi slt, %jit3A_219, %sign3A_231 : i32
        %sign3A_233 = arith.extui %sign3A_232 : i1 to i32
        %sign3A_234 = arith.subi %sign3A_230, %sign3A_233 : i32
        %ne3A_235 = arith.cmpi ne, %sign3A_227, %sign3A_234 : i32
        %rem3A_236 = arith.remsi %add3A_218, %jit3A_219 : i32
        %ne3A_237 = arith.constant 0 : i32
        %ne3A_238 = arith.cmpi ne, %rem3A_236, %ne3A_237 : i32
        %and3A_239 = arith.andi %ne3A_235, %ne3A_238 : i1
        %sub3A_240 = arith.constant 1 : i32
        %sub3A_241 = arith.subi %div3A_220, %sub3A_240 : i32
        %select_n3A_242 = arith.select %and3A_239, %sub3A_241, %div3A_220 : i32
        %mul3A_243 = arith.constant 16384 : i32
        %mul3A_244 = arith.muli %select_n3A_242, %mul3A_243 : i32
        %mul3A_245 = arith.constant 8192 : i32
        %mul3A_246 = arith.muli %select_n3A_28, %mul3A_245 : i32
        %add3A_247 = arith.addi %mul3A_244, %mul3A_246 : i32
        "tpu.region"() ({
          %run_scoped3A = tpu.sem_alloc : memref<!tpu.dma_semaphore, #tpu.memory_space<semaphore_mem>>
          %dma_start3A = tpu.memref_slice %arg4[%add3A_247] : memref<425984xi32, #tpu.memory_space<hbm>> -> memref<8192xi32, #tpu.memory_space<hbm>>
          %dma_start3A_248 = tpu.memref_slice %arg4[%add3A_247] : memref<425984xi32, #tpu.memory_space<hbm>> -> memref<8192xi32, #tpu.memory_space<hbm>>
          tpu.enqueue_dma source(%dma_start3A_248 : memref<8192xi32, #tpu.memory_space<hbm>>) target(%arg11 : memref<8192xi32, #tpu.memory_space<vmem>>) target_semaphore(%run_scoped3A : memref<!tpu.dma_semaphore, #tpu.memory_space<semaphore_mem>>)
          %dma_wait3A = tpu.memref_slice %arg4[%add3A_247] : memref<425984xi32, #tpu.memory_space<hbm>> -> memref<8192xi32, #tpu.memory_space<hbm>>
          %dma_wait3A_249 = tpu.memref_slice %arg4[%add3A_247] : memref<425984xi32, #tpu.memory_space<hbm>> -> memref<8192xi32, #tpu.memory_space<hbm>>
          tpu.wait_dma2 semaphore(%run_scoped3A : memref<!tpu.dma_semaphore, #tpu.memory_space<semaphore_mem>>) src(%dma_wait3A_249 : memref<8192xi32, #tpu.memory_space<hbm>>) dst(%arg11 : memref<8192xi32, #tpu.memory_space<vmem>>)
          tpu.yield
        }) : () -> ()
      } else {
      }
      %mul3A_171 = arith.constant 8 : i32
      %mul3A_172 = arith.muli %add3A_99, %mul3A_171 : i32
      "tpu.region"() ({
        %run_scoped3A = tpu.sem_alloc : memref<!tpu.dma_semaphore, #tpu.memory_space<semaphore_mem>>
        %dma_start3A = arith.constant 0 : i32
        %dma_start3A_216 = tpu.memref_slice %arg3[%mul3A_172, %dma_start3A] : memref<832x32xf32, #tpu.memory_space<hbm>> -> memref<8x32xf32, #tpu.memory_space<hbm>>
        %dma_start3A_217 = arith.constant 0 : i32
        %dma_start3A_218 = tpu.memref_slice %arg3[%mul3A_172, %dma_start3A_217] : memref<832x32xf32, #tpu.memory_space<hbm>> -> memref<8x32xf32, #tpu.memory_space<hbm>>
        tpu.enqueue_dma source(%dma_start3A_218 : memref<8x32xf32, #tpu.memory_space<hbm>>) target(%arg10 : memref<8x32xf32, #tpu.memory_space<vmem>>) target_semaphore(%run_scoped3A : memref<!tpu.dma_semaphore, #tpu.memory_space<semaphore_mem>>)
        %dma_wait3A = arith.constant 0 : i32
        %dma_wait3A_219 = tpu.memref_slice %arg3[%mul3A_172, %dma_wait3A] : memref<832x32xf32, #tpu.memory_space<hbm>> -> memref<8x32xf32, #tpu.memory_space<hbm>>
        %dma_wait3A_220 = arith.constant 0 : i32
        %dma_wait3A_221 = tpu.memref_slice %arg3[%mul3A_172, %dma_wait3A_220] : memref<832x32xf32, #tpu.memory_space<hbm>> -> memref<8x32xf32, #tpu.memory_space<hbm>>
        tpu.wait_dma2 semaphore(%run_scoped3A : memref<!tpu.dma_semaphore, #tpu.memory_space<semaphore_mem>>) src(%dma_wait3A_221 : memref<8x32xf32, #tpu.memory_space<hbm>>) dst(%arg10 : memref<8x32xf32, #tpu.memory_space<vmem>>)
        tpu.yield
      }) : () -> ()
      "tpu.region"() ({
        %run_scoped3A = tpu.sem_alloc : memref<!tpu.dma_semaphore, #tpu.memory_space<semaphore_mem>>
        %dma_start3A = arith.constant 0 : i32
        %dma_start3A_216 = tpu.memref_slice %arg9[%dma_start3A] : memref<50080xf32, #tpu.memory_space<vmem>> -> memref<49920xf32, #tpu.memory_space<vmem>>
        %dma_start3A_217 = arith.constant 0 : i32
        %dma_start3A_218 = tpu.memref_slice %arg7[%select_n3A, %dma_start3A_217] : memref<8x99968xf32, #tpu.memory_space<vmem_shared>> -> memref<1x49920xf32, #tpu.memory_space<vmem_shared>>
        %dma_start3A_219 = tpu.memref_squeeze %dma_start3A_218 : memref<1x49920xf32, #tpu.memory_space<vmem_shared>> -> memref<49920xf32, #tpu.memory_space<vmem_shared>>
        %dma_start3A_220 = arith.constant 0 : i32
        %dma_start3A_221 = tpu.memref_slice %arg9[%dma_start3A_220] : memref<50080xf32, #tpu.memory_space<vmem>> -> memref<49920xf32, #tpu.memory_space<vmem>>
        %dma_start3A_222 = arith.constant 0 : i32
        %dma_start3A_223 = tpu.memref_slice %arg7[%select_n3A, %dma_start3A_222] : memref<8x99968xf32, #tpu.memory_space<vmem_shared>> -> memref<1x49920xf32, #tpu.memory_space<vmem_shared>>
        %dma_start3A_224 = tpu.memref_squeeze %dma_start3A_223 : memref<1x49920xf32, #tpu.memory_space<vmem_shared>> -> memref<49920xf32, #tpu.memory_space<vmem_shared>>
        tpu.enqueue_dma source(%dma_start3A_224 : memref<49920xf32, #tpu.memory_space<vmem_shared>>) target(%dma_start3A_221 : memref<49920xf32, #tpu.memory_space<vmem>>) target_semaphore(%run_scoped3A : memref<!tpu.dma_semaphore, #tpu.memory_space<semaphore_mem>>)
        %dma_wait3A = arith.constant 0 : i32
        %dma_wait3A_225 = tpu.memref_slice %arg9[%dma_wait3A] : memref<50080xf32, #tpu.memory_space<vmem>> -> memref<49920xf32, #tpu.memory_space<vmem>>
        %dma_wait3A_226 = arith.constant 0 : i32
        %dma_wait3A_227 = tpu.memref_slice %arg7[%select_n3A, %dma_wait3A_226] : memref<8x99968xf32, #tpu.memory_space<vmem_shared>> -> memref<1x49920xf32, #tpu.memory_space<vmem_shared>>
        %dma_wait3A_228 = tpu.memref_squeeze %dma_wait3A_227 : memref<1x49920xf32, #tpu.memory_space<vmem_shared>> -> memref<49920xf32, #tpu.memory_space<vmem_shared>>
        %dma_wait3A_229 = arith.constant 0 : i32
        %dma_wait3A_230 = tpu.memref_slice %arg9[%dma_wait3A_229] : memref<50080xf32, #tpu.memory_space<vmem>> -> memref<49920xf32, #tpu.memory_space<vmem>>
        %dma_wait3A_231 = arith.constant 0 : i32
        %dma_wait3A_232 = tpu.memref_slice %arg7[%select_n3A, %dma_wait3A_231] : memref<8x99968xf32, #tpu.memory_space<vmem_shared>> -> memref<1x49920xf32, #tpu.memory_space<vmem_shared>>
        %dma_wait3A_233 = tpu.memref_squeeze %dma_wait3A_232 : memref<1x49920xf32, #tpu.memory_space<vmem_shared>> -> memref<49920xf32, #tpu.memory_space<vmem_shared>>
        tpu.wait_dma2 semaphore(%run_scoped3A : memref<!tpu.dma_semaphore, #tpu.memory_space<semaphore_mem>>) src(%dma_wait3A_233 : memref<49920xf32, #tpu.memory_space<vmem_shared>>) dst(%dma_wait3A_230 : memref<49920xf32, #tpu.memory_space<vmem>>)
        tpu.yield
      }) : () -> ()
      %barrier3A_173 = arith.constant 0 : index
      tpu.barrier barrier_id(%barrier3A_173)
      %lt3A_174 = arith.constant 51 : i32
      %lt3A_175 = arith.cmpi slt, %scan3A_97, %lt3A_174 : i32
      %convert_element_type3A_176 = arith.extui %lt3A_175 : i1 to i32
      %cond3A_177 = arith.constant 0 : i32
      %cond3A_178 = arith.cmpi ne, %convert_element_type3A_176, %cond3A_177 : i32
      scf.if %cond3A_178 {
        %add3A_216 = arith.constant 1 : i32
        %add3A_217 = arith.addi %add3A_99, %add3A_216 : i32
        %eq3A_218 = arith.constant 0 : i32
        %eq3A_219 = arith.cmpi eq, %arg1, %eq3A_218 : i32
        %convert_element_type3A_220 = arith.extui %eq3A_219 : i1 to i32
        %cond3A_221 = arith.constant 0 : i32
        %cond3A_222 = arith.cmpi ne, %convert_element_type3A_220, %cond3A_221 : i32
        scf.if %cond3A_222 {
          %mul3A_238 = arith.constant 8 : i32
          %mul3A_239 = arith.muli %add3A_217, %mul3A_238 : i32
          %dma_start3A = arith.constant 0 : i32
          %dma_start3A_240 = arith.constant 0 : i32
          %dma_start3A_241 = tpu.memref_slice %arg7[%dma_start3A, %dma_start3A_240] : memref<8x99968xf32, #tpu.memory_space<vmem_shared>> -> memref<8x12544xf32, #tpu.memory_space<vmem_shared>>
          %dma_start3A_242 = arith.constant 0 : i32
          %dma_start3A_243 = tpu.memref_slice %arg2[%mul3A_239, %dma_start3A_242] : memref<832x100000xf32, #tpu.memory_space<hbm>> -> memref<8x12544xf32, #tpu.memory_space<hbm>>
          tpu.enqueue_dma source(%dma_start3A_243 : memref<8x12544xf32, #tpu.memory_space<hbm>>) target(%dma_start3A_241 : memref<8x12544xf32, #tpu.memory_space<vmem_shared>>) target_semaphore(%arg13 : memref<!tpu.dma_semaphore, #tpu.memory_space<semaphore_mem>>)
        } else {
        }
        %eq3A_223 = arith.constant 1 : i32
        %eq3A_224 = arith.cmpi eq, %arg1, %eq3A_223 : i32
        %convert_element_type3A_225 = arith.extui %eq3A_224 : i1 to i32
        %cond3A_226 = arith.constant 0 : i32
        %cond3A_227 = arith.cmpi ne, %convert_element_type3A_225, %cond3A_226 : i32
        scf.if %cond3A_227 {
          %mul3A_238 = arith.constant 8 : i32
          %mul3A_239 = arith.muli %add3A_217, %mul3A_238 : i32
          %dma_start3A = arith.constant 0 : i32
          %dma_start3A_240 = arith.constant 12544 : i32
          %dma_start3A_241 = tpu.memref_slice %arg7[%dma_start3A, %dma_start3A_240] : memref<8x99968xf32, #tpu.memory_space<vmem_shared>> -> memref<8x12544xf32, #tpu.memory_space<vmem_shared>>
          %dma_start3A_242 = arith.constant 12544 : i32
          %dma_start3A_243 = tpu.memref_slice %arg2[%mul3A_239, %dma_start3A_242] : memref<832x100000xf32, #tpu.memory_space<hbm>> -> memref<8x12544xf32, #tpu.memory_space<hbm>>
          tpu.enqueue_dma source(%dma_start3A_243 : memref<8x12544xf32, #tpu.memory_space<hbm>>) target(%dma_start3A_241 : memref<8x12544xf32, #tpu.memory_space<vmem_shared>>) target_semaphore(%arg13 : memref<!tpu.dma_semaphore, #tpu.memory_space<semaphore_mem>>)
        } else {
        }
        %eq3A_228 = arith.constant 2 : i32
        %eq3A_229 = arith.cmpi eq, %arg1, %eq3A_228 : i32
        %convert_element_type3A_230 = arith.extui %eq3A_229 : i1 to i32
        %cond3A_231 = arith.constant 0 : i32
        %cond3A_232 = arith.cmpi ne, %convert_element_type3A_230, %cond3A_231 : i32
        scf.if %cond3A_232 {
          %mul3A_238 = arith.constant 8 : i32
          %mul3A_239 = arith.muli %add3A_217, %mul3A_238 : i32
          %dma_start3A = arith.constant 0 : i32
          %dma_start3A_240 = arith.constant 25088 : i32
          %dma_start3A_241 = tpu.memref_slice %arg7[%dma_start3A, %dma_start3A_240] : memref<8x99968xf32, #tpu.memory_space<vmem_shared>> -> memref<8x12544xf32, #tpu.memory_space<vmem_shared>>
          %dma_start3A_242 = arith.constant 25088 : i32
          %dma_start3A_243 = tpu.memref_slice %arg2[%mul3A_239, %dma_start3A_242] : memref<832x100000xf32, #tpu.memory_space<hbm>> -> memref<8x12544xf32, #tpu.memory_space<hbm>>
          tpu.enqueue_dma source(%dma_start3A_243 : memref<8x12544xf32, #tpu.memory_space<hbm>>) target(%dma_start3A_241 : memref<8x12544xf32, #tpu.memory_space<vmem_shared>>) target_semaphore(%arg13 : memref<!tpu.dma_semaphore, #tpu.memory_space<semaphore_mem>>)
        } else {
        }
        %eq3A_233 = arith.constant 3 : i32
        %eq3A_234 = arith.cmpi eq, %arg1, %eq3A_233 : i32
        %convert_element_type3A_235 = arith.extui %eq3A_234 : i1 to i32
        %cond3A_236 = arith.constant 0 : i32
        %cond3A_237 = arith.cmpi ne, %convert_element_type3A_235, %cond3A_236 : i32
        scf.if %cond3A_237 {
          %mul3A_238 = arith.constant 8 : i32
          %mul3A_239 = arith.muli %add3A_217, %mul3A_238 : i32
          %dma_start3A = arith.constant 0 : i32
          %dma_start3A_240 = arith.constant 37632 : i32
          %dma_start3A_241 = tpu.memref_slice %arg7[%dma_start3A, %dma_start3A_240] : memref<8x99968xf32, #tpu.memory_space<vmem_shared>> -> memref<8x12288xf32, #tpu.memory_space<vmem_shared>>
          %dma_start3A_242 = arith.constant 37632 : i32
          %dma_start3A_243 = tpu.memref_slice %arg2[%mul3A_239, %dma_start3A_242] : memref<832x100000xf32, #tpu.memory_space<hbm>> -> memref<8x12288xf32, #tpu.memory_space<hbm>>
          tpu.enqueue_dma source(%dma_start3A_243 : memref<8x12288xf32, #tpu.memory_space<hbm>>) target(%dma_start3A_241 : memref<8x12288xf32, #tpu.memory_space<vmem_shared>>) target_semaphore(%arg13 : memref<!tpu.dma_semaphore, #tpu.memory_space<semaphore_mem>>)
        } else {
        }
      } else {
      }
      %scan3A_179 = arith.constant 0 : i32
      %scan3A_180 = arith.constant 0 : i32
      %scan3A_181 = arith.constant 64 : i32
      %scan3A_182 = arith.addi %scan3A_180, %scan3A_181 : i32
      %scan3A_183 = arith.constant 1 : i32
      %scan3A_184 = scf.for %scan3A_216 = %scan3A_180 to %scan3A_182 step %scan3A_183 iter_args(%scan3A_217 = %scan3A_179) -> (i32)  : i32 {
        %mul3A_218 = arith.constant 128 : i32
        %mul3A_219 = arith.muli %scan3A_216, %mul3A_218 : i32
        %add3A_220 = arith.constant 0 : i32
        %add3A_221 = arith.addi %mul3A_219, %add3A_220 : i32
        %get3A_222 = arith.index_cast %add3A_221 : i32 to index
        %get3A_223 = tpu.vector_load %arg11[%get3A_222] {strides = array<i32>} : memref<8192xi32, #tpu.memory_space<vmem>>, vector<16xi32>,
        %min3A = arith.constant 49919 : i32
        %min3A_224 = vector.broadcast %min3A : i32 to vector<16xi32>
        %min3A_225 = arith.minsi %get3A_223, %min3A_224 : vector<16xi32>
        %gather3A = tpu.vector_load_idx %arg9[%min3A_225] : memref<50080xf32, #tpu.memory_space<vmem>>[vector<16xi32>], vector<16xf32>,
        %swap3A_226 = arith.index_cast %add3A_221 : i32 to index
        %swap3A_227 = tpu.vector_load %arg12[%swap3A_226] {strides = array<i32>} : memref<8192xf32, #tpu.memory_space<vmem>>, vector<16xf32>,
        tpu.vector_store %arg12[%swap3A_226], %gather3A {strides = array<i32>} : memref<8192xf32, #tpu.memory_space<vmem>>, vector<16xf32>,
        %mul3A_228 = arith.constant 128 : i32
        %mul3A_229 = arith.muli %scan3A_216, %mul3A_228 : i32
        %add3A_230 = arith.constant 16 : i32
        %add3A_231 = arith.addi %mul3A_229, %add3A_230 : i32
        %get3A_232 = arith.index_cast %add3A_231 : i32 to index
        %get3A_233 = tpu.vector_load %arg11[%get3A_232] {strides = array<i32>} : memref<8192xi32, #tpu.memory_space<vmem>>, vector<16xi32>,
        %min3A_234 = arith.constant 49919 : i32
        %min3A_235 = vector.broadcast %min3A_234 : i32 to vector<16xi32>
        %min3A_236 = arith.minsi %get3A_233, %min3A_235 : vector<16xi32>
        %gather3A_237 = tpu.vector_load_idx %arg9[%min3A_236] : memref<50080xf32, #tpu.memory_space<vmem>>[vector<16xi32>], vector<16xf32>,
        %swap3A_238 = arith.index_cast %add3A_231 : i32 to index
        %swap3A_239 = tpu.vector_load %arg12[%swap3A_238] {strides = array<i32>} : memref<8192xf32, #tpu.memory_space<vmem>>, vector<16xf32>,
        tpu.vector_store %arg12[%swap3A_238], %gather3A_237 {strides = array<i32>} : memref<8192xf32, #tpu.memory_space<vmem>>, vector<16xf32>,
        %mul3A_240 = arith.constant 128 : i32
        %mul3A_241 = arith.muli %scan3A_216, %mul3A_240 : i32
        %add3A_242 = arith.constant 32 : i32
        %add3A_243 = arith.addi %mul3A_241, %add3A_242 : i32
        %get3A_244 = arith.index_cast %add3A_243 : i32 to index
        %get3A_245 = tpu.vector_load %arg11[%get3A_244] {strides = array<i32>} : memref<8192xi32, #tpu.memory_space<vmem>>, vector<16xi32>,
        %min3A_246 = arith.constant 49919 : i32
        %min3A_247 = vector.broadcast %min3A_246 : i32 to vector<16xi32>
        %min3A_248 = arith.minsi %get3A_245, %min3A_247 : vector<16xi32>
        %gather3A_249 = tpu.vector_load_idx %arg9[%min3A_248] : memref<50080xf32, #tpu.memory_space<vmem>>[vector<16xi32>], vector<16xf32>,
        %swap3A_250 = arith.index_cast %add3A_243 : i32 to index
        %swap3A_251 = tpu.vector_load %arg12[%swap3A_250] {strides = array<i32>} : memref<8192xf32, #tpu.memory_space<vmem>>, vector<16xf32>,
        tpu.vector_store %arg12[%swap3A_250], %gather3A_249 {strides = array<i32>} : memref<8192xf32, #tpu.memory_space<vmem>>, vector<16xf32>,
        %mul3A_252 = arith.constant 128 : i32
        %mul3A_253 = arith.muli %scan3A_216, %mul3A_252 : i32
        %add3A_254 = arith.constant 48 : i32
        %add3A_255 = arith.addi %mul3A_253, %add3A_254 : i32
        %get3A_256 = arith.index_cast %add3A_255 : i32 to index
        %get3A_257 = tpu.vector_load %arg11[%get3A_256] {strides = array<i32>} : memref<8192xi32, #tpu.memory_space<vmem>>, vector<16xi32>,
        %min3A_258 = arith.constant 49919 : i32
        %min3A_259 = vector.broadcast %min3A_258 : i32 to vector<16xi32>
        %min3A_260 = arith.minsi %get3A_257, %min3A_259 : vector<16xi32>
        %gather3A_261 = tpu.vector_load_idx %arg9[%min3A_260] : memref<50080xf32, #tpu.memory_space<vmem>>[vector<16xi32>], vector<16xf32>,
        %swap3A_262 = arith.index_cast %add3A_255 : i32 to index
        %swap3A_263 = tpu.vector_load %arg12[%swap3A_262] {strides = array<i32>} : memref<8192xf32, #tpu.memory_space<vmem>>, vector<16xf32>,
        tpu.vector_store %arg12[%swap3A_262], %gather3A_261 {strides = array<i32>} : memref<8192xf32, #tpu.memory_space<vmem>>, vector<16xf32>,
        %mul3A_264 = arith.constant 128 : i32
        %mul3A_265 = arith.muli %scan3A_216, %mul3A_264 : i32
        %add3A_266 = arith.constant 64 : i32
        %add3A_267 = arith.addi %mul3A_265, %add3A_266 : i32
        %get3A_268 = arith.index_cast %add3A_267 : i32 to index
        %get3A_269 = tpu.vector_load %arg11[%get3A_268] {strides = array<i32>} : memref<8192xi32, #tpu.memory_space<vmem>>, vector<16xi32>,
        %min3A_270 = arith.constant 49919 : i32
        %min3A_271 = vector.broadcast %min3A_270 : i32 to vector<16xi32>
        %min3A_272 = arith.minsi %get3A_269, %min3A_271 : vector<16xi32>
        %gather3A_273 = tpu.vector_load_idx %arg9[%min3A_272] : memref<50080xf32, #tpu.memory_space<vmem>>[vector<16xi32>], vector<16xf32>,
        %swap3A_274 = arith.index_cast %add3A_267 : i32 to index
        %swap3A_275 = tpu.vector_load %arg12[%swap3A_274] {strides = array<i32>} : memref<8192xf32, #tpu.memory_space<vmem>>, vector<16xf32>,
        tpu.vector_store %arg12[%swap3A_274], %gather3A_273 {strides = array<i32>} : memref<8192xf32, #tpu.memory_space<vmem>>, vector<16xf32>,
        %mul3A_276 = arith.constant 128 : i32
        %mul3A_277 = arith.muli %scan3A_216, %mul3A_276 : i32
        %add3A_278 = arith.constant 80 : i32
        %add3A_279 = arith.addi %mul3A_277, %add3A_278 : i32
        %get3A_280 = arith.index_cast %add3A_279 : i32 to index
        %get3A_281 = tpu.vector_load %arg11[%get3A_280] {strides = array<i32>} : memref<8192xi32, #tpu.memory_space<vmem>>, vector<16xi32>,
        %min3A_282 = arith.constant 49919 : i32
        %min3A_283 = vector.broadcast %min3A_282 : i32 to vector<16xi32>
        %min3A_284 = arith.minsi %get3A_281, %min3A_283 : vector<16xi32>
        %gather3A_285 = tpu.vector_load_idx %arg9[%min3A_284] : memref<50080xf32, #tpu.memory_space<vmem>>[vector<16xi32>], vector<16xf32>,
        %swap3A_286 = arith.index_cast %add3A_279 : i32 to index
        %swap3A_287 = tpu.vector_load %arg12[%swap3A_286] {strides = array<i32>} : memref<8192xf32, #tpu.memory_space<vmem>>, vector<16xf32>,
        tpu.vector_store %arg12[%swap3A_286], %gather3A_285 {strides = array<i32>} : memref<8192xf32, #tpu.memory_space<vmem>>, vector<16xf32>,
        %mul3A_288 = arith.constant 128 : i32
        %mul3A_289 = arith.muli %scan3A_216, %mul3A_288 : i32
        %add3A_290 = arith.constant 96 : i32
        %add3A_291 = arith.addi %mul3A_289, %add3A_290 : i32
        %get3A_292 = arith.index_cast %add3A_291 : i32 to index
        %get3A_293 = tpu.vector_load %arg11[%get3A_292] {strides = array<i32>} : memref<8192xi32, #tpu.memory_space<vmem>>, vector<16xi32>,
        %min3A_294 = arith.constant 49919 : i32
        %min3A_295 = vector.broadcast %min3A_294 : i32 to vector<16xi32>
        %min3A_296 = arith.minsi %get3A_293, %min3A_295 : vector<16xi32>
        %gather3A_297 = tpu.vector_load_idx %arg9[%min3A_296] : memref<50080xf32, #tpu.memory_space<vmem>>[vector<16xi32>], vector<16xf32>,
        %swap3A_298 = arith.index_cast %add3A_291 : i32 to index
        %swap3A_299 = tpu.vector_load %arg12[%swap3A_298] {strides = array<i32>} : memref<8192xf32, #tpu.memory_space<vmem>>, vector<16xf32>,
        tpu.vector_store %arg12[%swap3A_298], %gather3A_297 {strides = array<i32>} : memref<8192xf32, #tpu.memory_space<vmem>>, vector<16xf32>,
        %mul3A_300 = arith.constant 128 : i32
        %mul3A_301 = arith.muli %scan3A_216, %mul3A_300 : i32
        %add3A_302 = arith.constant 112 : i32
        %add3A_303 = arith.addi %mul3A_301, %add3A_302 : i32
        %get3A_304 = arith.index_cast %add3A_303 : i32 to index
        %get3A_305 = tpu.vector_load %arg11[%get3A_304] {strides = array<i32>} : memref<8192xi32, #tpu.memory_space<vmem>>, vector<16xi32>,
        %min3A_306 = arith.constant 49919 : i32
        %min3A_307 = vector.broadcast %min3A_306 : i32 to vector<16xi32>
        %min3A_308 = arith.minsi %get3A_305, %min3A_307 : vector<16xi32>
        %gather3A_309 = tpu.vector_load_idx %arg9[%min3A_308] : memref<50080xf32, #tpu.memory_space<vmem>>[vector<16xi32>], vector<16xf32>,
        %swap3A_310 = arith.index_cast %add3A_303 : i32 to index
        %swap3A_311 = tpu.vector_load %arg12[%swap3A_310] {strides = array<i32>} : memref<8192xf32, #tpu.memory_space<vmem>>, vector<16xf32>,
        tpu.vector_store %arg12[%swap3A_310], %gather3A_309 {strides = array<i32>} : memref<8192xf32, #tpu.memory_space<vmem>>, vector<16xf32>,
        %scan3A_312 = arith.constant 0 : i32
        scf.yield %scan3A_312 : i32
      }
      %scan3A_185 = arith.constant 64 : i32
      "tpu.region"() ({
        %run_scoped3A = tpu.sem_alloc : memref<!tpu.dma_semaphore, #tpu.memory_space<semaphore_mem>>
        %dma_start3A = arith.constant 0 : i32
        %dma_start3A_216 = tpu.memref_slice %arg9[%dma_start3A] : memref<50080xf32, #tpu.memory_space<vmem>> -> memref<50048xf32, #tpu.memory_space<vmem>>
        %dma_start3A_217 = arith.constant 49920 : i32
        %dma_start3A_218 = tpu.memref_slice %arg7[%select_n3A, %dma_start3A_217] : memref<8x99968xf32, #tpu.memory_space<vmem_shared>> -> memref<1x50048xf32, #tpu.memory_space<vmem_shared>>
        %dma_start3A_219 = tpu.memref_squeeze %dma_start3A_218 : memref<1x50048xf32, #tpu.memory_space<vmem_shared>> -> memref<50048xf32, #tpu.memory_space<vmem_shared>>
        %dma_start3A_220 = arith.constant 0 : i32
        %dma_start3A_221 = tpu.memref_slice %arg9[%dma_start3A_220] : memref<50080xf32, #tpu.memory_space<vmem>> -> memref<50048xf32, #tpu.memory_space<vmem>>
        %dma_start3A_222 = arith.constant 49920 : i32
        %dma_start3A_223 = tpu.memref_slice %arg7[%select_n3A, %dma_start3A_222] : memref<8x99968xf32, #tpu.memory_space<vmem_shared>> -> memref<1x50048xf32, #tpu.memory_space<vmem_shared>>
        %dma_start3A_224 = tpu.memref_squeeze %dma_start3A_223 : memref<1x50048xf32, #tpu.memory_space<vmem_shared>> -> memref<50048xf32, #tpu.memory_space<vmem_shared>>
        tpu.enqueue_dma source(%dma_start3A_224 : memref<50048xf32, #tpu.memory_space<vmem_shared>>) target(%dma_start3A_221 : memref<50048xf32, #tpu.memory_space<vmem>>) target_semaphore(%run_scoped3A : memref<!tpu.dma_semaphore, #tpu.memory_space<semaphore_mem>>)
        %dma_wait3A = arith.constant 0 : i32
        %dma_wait3A_225 = tpu.memref_slice %arg9[%dma_wait3A] : memref<50080xf32, #tpu.memory_space<vmem>> -> memref<50048xf32, #tpu.memory_space<vmem>>
        %dma_wait3A_226 = arith.constant 49920 : i32
        %dma_wait3A_227 = tpu.memref_slice %arg7[%select_n3A, %dma_wait3A_226] : memref<8x99968xf32, #tpu.memory_space<vmem_shared>> -> memref<1x50048xf32, #tpu.memory_space<vmem_shared>>
        %dma_wait3A_228 = tpu.memref_squeeze %dma_wait3A_227 : memref<1x50048xf32, #tpu.memory_space<vmem_shared>> -> memref<50048xf32, #tpu.memory_space<vmem_shared>>
        %dma_wait3A_229 = arith.constant 0 : i32
        %dma_wait3A_230 = tpu.memref_slice %arg9[%dma_wait3A_229] : memref<50080xf32, #tpu.memory_space<vmem>> -> memref<50048xf32, #tpu.memory_space<vmem>>
        %dma_wait3A_231 = arith.constant 49920 : i32
        %dma_wait3A_232 = tpu.memref_slice %arg7[%select_n3A, %dma_wait3A_231] : memref<8x99968xf32, #tpu.memory_space<vmem_shared>> -> memref<1x50048xf32, #tpu.memory_space<vmem_shared>>
        %dma_wait3A_233 = tpu.memref_squeeze %dma_wait3A_232 : memref<1x50048xf32, #tpu.memory_space<vmem_shared>> -> memref<50048xf32, #tpu.memory_space<vmem_shared>>
        tpu.wait_dma2 semaphore(%run_scoped3A : memref<!tpu.dma_semaphore, #tpu.memory_space<semaphore_mem>>) src(%dma_wait3A_233 : memref<50048xf32, #tpu.memory_space<vmem_shared>>) dst(%dma_wait3A_230 : memref<50048xf32, #tpu.memory_space<vmem>>)
        tpu.yield
      }) : () -> ()
      %get3A = arith.index_cast %select_n3A : i32 to index
      %get3A_186 = arith.constant 0 : index
      %get3A_187 = tpu.vector_load %arg10[%get3A, %get3A_186] {strides = array<i32>} : memref<8x32xf32, #tpu.memory_space<vmem>>, vector<16xf32>,
      %swap3A = arith.constant 50048 : index
      %swap3A_188 = tpu.vector_load %arg9[%swap3A] {strides = array<i32>} : memref<50080xf32, #tpu.memory_space<vmem>>, vector<16xf32>,
      tpu.vector_store %arg9[%swap3A], %get3A_187 {strides = array<i32>} : memref<50080xf32, #tpu.memory_space<vmem>>, vector<16xf32>,
      %get3A_189 = arith.index_cast %select_n3A : i32 to index
      %get3A_190 = arith.constant 16 : index
      %get3A_191 = tpu.vector_load %arg10[%get3A_189, %get3A_190] {strides = array<i32>} : memref<8x32xf32, #tpu.memory_space<vmem>>, vector<16xf32>,
      %swap3A_192 = arith.constant 50064 : index
      %swap3A_193 = tpu.vector_load %arg9[%swap3A_192] {strides = array<i32>} : memref<50080xf32, #tpu.memory_space<vmem>>, vector<16xf32>,
      tpu.vector_store %arg9[%swap3A_192], %get3A_191 {strides = array<i32>} : memref<50080xf32, #tpu.memory_space<vmem>>, vector<16xf32>,
      %barrier3A_194 = arith.constant 0 : index
      tpu.barrier barrier_id(%barrier3A_194)
      %lt3A_195 = arith.constant 51 : i32
      %lt3A_196 = arith.cmpi slt, %scan3A_97, %lt3A_195 : i32
      %convert_element_type3A_197 = arith.extui %lt3A_196 : i1 to i32
      %cond3A_198 = arith.constant 0 : i32
      %cond3A_199 = arith.cmpi ne, %convert_element_type3A_197, %cond3A_198 : i32
      scf.if %cond3A_199 {
        %add3A_216 = arith.constant 1 : i32
        %add3A_217 = arith.addi %add3A_99, %add3A_216 : i32
        %eq3A_218 = arith.constant 0 : i32
        %eq3A_219 = arith.cmpi eq, %arg1, %eq3A_218 : i32
        %convert_element_type3A_220 = arith.extui %eq3A_219 : i1 to i32
        %cond3A_221 = arith.constant 0 : i32
        %cond3A_222 = arith.cmpi ne, %convert_element_type3A_220, %cond3A_221 : i32
        scf.if %cond3A_222 {
          %mul3A_238 = arith.constant 8 : i32
          %mul3A_239 = arith.muli %add3A_217, %mul3A_238 : i32
          %dma_start3A = arith.constant 0 : i32
          %dma_start3A_240 = arith.constant 49920 : i32
          %dma_start3A_241 = tpu.memref_slice %arg7[%dma_start3A, %dma_start3A_240] : memref<8x99968xf32, #tpu.memory_space<vmem_shared>> -> memref<8x12544xf32, #tpu.memory_space<vmem_shared>>
          %dma_start3A_242 = arith.constant 49920 : i32
          %dma_start3A_243 = tpu.memref_slice %arg2[%mul3A_239, %dma_start3A_242] : memref<832x100000xf32, #tpu.memory_space<hbm>> -> memref<8x12544xf32, #tpu.memory_space<hbm>>
          tpu.enqueue_dma source(%dma_start3A_243 : memref<8x12544xf32, #tpu.memory_space<hbm>>) target(%dma_start3A_241 : memref<8x12544xf32, #tpu.memory_space<vmem_shared>>) target_semaphore(%arg14 : memref<!tpu.dma_semaphore, #tpu.memory_space<semaphore_mem>>)
        } else {
        }
        %eq3A_223 = arith.constant 1 : i32
        %eq3A_224 = arith.cmpi eq, %arg1, %eq3A_223 : i32
        %convert_element_type3A_225 = arith.extui %eq3A_224 : i1 to i32
        %cond3A_226 = arith.constant 0 : i32
        %cond3A_227 = arith.cmpi ne, %convert_element_type3A_225, %cond3A_226 : i32
        scf.if %cond3A_227 {
          %mul3A_238 = arith.constant 8 : i32
          %mul3A_239 = arith.muli %add3A_217, %mul3A_238 : i32
          %dma_start3A = arith.constant 0 : i32
          %dma_start3A_240 = arith.constant 62464 : i32
          %dma_start3A_241 = tpu.memref_slice %arg7[%dma_start3A, %dma_start3A_240] : memref<8x99968xf32, #tpu.memory_space<vmem_shared>> -> memref<8x12544xf32, #tpu.memory_space<vmem_shared>>
          %dma_start3A_242 = arith.constant 62464 : i32
          %dma_start3A_243 = tpu.memref_slice %arg2[%mul3A_239, %dma_start3A_242] : memref<832x100000xf32, #tpu.memory_space<hbm>> -> memref<8x12544xf32, #tpu.memory_space<hbm>>
          tpu.enqueue_dma source(%dma_start3A_243 : memref<8x12544xf32, #tpu.memory_space<hbm>>) target(%dma_start3A_241 : memref<8x12544xf32, #tpu.memory_space<vmem_shared>>) target_semaphore(%arg14 : memref<!tpu.dma_semaphore, #tpu.memory_space<semaphore_mem>>)
        } else {
        }
        %eq3A_228 = arith.constant 2 : i32
        %eq3A_229 = arith.cmpi eq, %arg1, %eq3A_228 : i32
        %convert_element_type3A_230 = arith.extui %eq3A_229 : i1 to i32
        %cond3A_231 = arith.constant 0 : i32
        %cond3A_232 = arith.cmpi ne, %convert_element_type3A_230, %cond3A_231 : i32
        scf.if %cond3A_232 {
          %mul3A_238 = arith.constant 8 : i32
          %mul3A_239 = arith.muli %add3A_217, %mul3A_238 : i32
          %dma_start3A = arith.constant 0 : i32
          %dma_start3A_240 = arith.constant 75008 : i32
          %dma_start3A_241 = tpu.memref_slice %arg7[%dma_start3A, %dma_start3A_240] : memref<8x99968xf32, #tpu.memory_space<vmem_shared>> -> memref<8x12544xf32, #tpu.memory_space<vmem_shared>>
          %dma_start3A_242 = arith.constant 75008 : i32
          %dma_start3A_243 = tpu.memref_slice %arg2[%mul3A_239, %dma_start3A_242] : memref<832x100000xf32, #tpu.memory_space<hbm>> -> memref<8x12544xf32, #tpu.memory_space<hbm>>
          tpu.enqueue_dma source(%dma_start3A_243 : memref<8x12544xf32, #tpu.memory_space<hbm>>) target(%dma_start3A_241 : memref<8x12544xf32, #tpu.memory_space<vmem_shared>>) target_semaphore(%arg14 : memref<!tpu.dma_semaphore, #tpu.memory_space<semaphore_mem>>)
        } else {
        }
        %eq3A_233 = arith.constant 3 : i32
        %eq3A_234 = arith.cmpi eq, %arg1, %eq3A_233 : i32
        %convert_element_type3A_235 = arith.extui %eq3A_234 : i1 to i32
        %cond3A_236 = arith.constant 0 : i32
        %cond3A_237 = arith.cmpi ne, %convert_element_type3A_235, %cond3A_236 : i32
        scf.if %cond3A_237 {
          %mul3A_238 = arith.constant 8 : i32
          %mul3A_239 = arith.muli %add3A_217, %mul3A_238 : i32
          %dma_start3A = arith.constant 0 : i32
          %dma_start3A_240 = arith.constant 87552 : i32
          %dma_start3A_241 = tpu.memref_slice %arg7[%dma_start3A, %dma_start3A_240] : memref<8x99968xf32, #tpu.memory_space<vmem_shared>> -> memref<8x12416xf32, #tpu.memory_space<vmem_shared>>
          %dma_start3A_242 = arith.constant 87552 : i32
          %dma_start3A_243 = tpu.memref_slice %arg2[%mul3A_239, %dma_start3A_242] : memref<832x100000xf32, #tpu.memory_space<hbm>> -> memref<8x12416xf32, #tpu.memory_space<hbm>>
          tpu.enqueue_dma source(%dma_start3A_243 : memref<8x12416xf32, #tpu.memory_space<hbm>>) target(%dma_start3A_241 : memref<8x12416xf32, #tpu.memory_space<vmem_shared>>) target_semaphore(%arg14 : memref<!tpu.dma_semaphore, #tpu.memory_space<semaphore_mem>>)
        } else {
        }
      } else {
      }
      %scan3A_200 = arith.constant 0 : i32
      %scan3A_201 = arith.constant 0 : i32
      %scan3A_202 = arith.constant 64 : i32
      %scan3A_203 = arith.addi %scan3A_201, %scan3A_202 : i32
      %scan3A_204 = arith.constant 1 : i32
      %scan3A_205 = scf.for %scan3A_216 = %scan3A_201 to %scan3A_203 step %scan3A_204 iter_args(%scan3A_217 = %scan3A_200) -> (i32)  : i32 {
        %mul3A_218 = arith.constant 128 : i32
        %mul3A_219 = arith.muli %scan3A_216, %mul3A_218 : i32
        %add3A_220 = arith.constant 0 : i32
        %add3A_221 = arith.addi %mul3A_219, %add3A_220 : i32
        %get3A_222 = arith.index_cast %add3A_221 : i32 to index
        %get3A_223 = tpu.vector_load %arg11[%get3A_222] {strides = array<i32>} : memref<8192xi32, #tpu.memory_space<vmem>>, vector<16xi32>,
        %get3A_224 = arith.index_cast %add3A_221 : i32 to index
        %get3A_225 = tpu.vector_load %arg12[%get3A_224] {strides = array<i32>} : memref<8192xf32, #tpu.memory_space<vmem>>, vector<16xf32>,
        %sub3A_226 = arith.constant 49920 : i32
        %sub3A_227 = vector.broadcast %sub3A_226 : i32 to vector<16xi32>
        %sub3A_228 = arith.subi %get3A_223, %sub3A_227 : vector<16xi32>
        %max3A = arith.constant 0 : i32
        %max3A_229 = vector.broadcast %max3A : i32 to vector<16xi32>
        %max3A_230 = arith.maxsi %sub3A_228, %max3A_229 : vector<16xi32>
        %gather3A = tpu.vector_load_idx %arg9[%max3A_230] : memref<50080xf32, #tpu.memory_space<vmem>>[vector<16xi32>], vector<16xf32>,
        %ge3A = arith.constant 49920 : i32
        %ge3A_231 = vector.broadcast %ge3A : i32 to vector<16xi32>
        %ge3A_232 = arith.cmpi sge, %get3A_223, %ge3A_231 : vector<16xi32>
        %select_n3A_233 = arith.select %ge3A_232, %gather3A, %get3A_225 : vector<16xi1>, vector<16xf32>
        %swap3A_234 = arith.index_cast %add3A_221 : i32 to index
        %swap3A_235 = tpu.vector_load %arg12[%swap3A_234] {strides = array<i32>} : memref<8192xf32, #tpu.memory_space<vmem>>, vector<16xf32>,
        tpu.vector_store %arg12[%swap3A_234], %select_n3A_233 {strides = array<i32>} : memref<8192xf32, #tpu.memory_space<vmem>>, vector<16xf32>,
        %mul3A_236 = arith.constant 128 : i32
        %mul3A_237 = arith.muli %scan3A_216, %mul3A_236 : i32
        %add3A_238 = arith.constant 16 : i32
        %add3A_239 = arith.addi %mul3A_237, %add3A_238 : i32
        %get3A_240 = arith.index_cast %add3A_239 : i32 to index
        %get3A_241 = tpu.vector_load %arg11[%get3A_240] {strides = array<i32>} : memref<8192xi32, #tpu.memory_space<vmem>>, vector<16xi32>,
        %get3A_242 = arith.index_cast %add3A_239 : i32 to index
        %get3A_243 = tpu.vector_load %arg12[%get3A_242] {strides = array<i32>} : memref<8192xf32, #tpu.memory_space<vmem>>, vector<16xf32>,
        %sub3A_244 = arith.constant 49920 : i32
        %sub3A_245 = vector.broadcast %sub3A_244 : i32 to vector<16xi32>
        %sub3A_246 = arith.subi %get3A_241, %sub3A_245 : vector<16xi32>
        %max3A_247 = arith.constant 0 : i32
        %max3A_248 = vector.broadcast %max3A_247 : i32 to vector<16xi32>
        %max3A_249 = arith.maxsi %sub3A_246, %max3A_248 : vector<16xi32>
        %gather3A_250 = tpu.vector_load_idx %arg9[%max3A_249] : memref<50080xf32, #tpu.memory_space<vmem>>[vector<16xi32>], vector<16xf32>,
        %ge3A_251 = arith.constant 49920 : i32
        %ge3A_252 = vector.broadcast %ge3A_251 : i32 to vector<16xi32>
        %ge3A_253 = arith.cmpi sge, %get3A_241, %ge3A_252 : vector<16xi32>
        %select_n3A_254 = arith.select %ge3A_253, %gather3A_250, %get3A_243 : vector<16xi1>, vector<16xf32>
        %swap3A_255 = arith.index_cast %add3A_239 : i32 to index
        %swap3A_256 = tpu.vector_load %arg12[%swap3A_255] {strides = array<i32>} : memref<8192xf32, #tpu.memory_space<vmem>>, vector<16xf32>,
        tpu.vector_store %arg12[%swap3A_255], %select_n3A_254 {strides = array<i32>} : memref<8192xf32, #tpu.memory_space<vmem>>, vector<16xf32>,
        %mul3A_257 = arith.constant 128 : i32
        %mul3A_258 = arith.muli %scan3A_216, %mul3A_257 : i32
        %add3A_259 = arith.constant 32 : i32
        %add3A_260 = arith.addi %mul3A_258, %add3A_259 : i32
        %get3A_261 = arith.index_cast %add3A_260 : i32 to index
        %get3A_262 = tpu.vector_load %arg11[%get3A_261] {strides = array<i32>} : memref<8192xi32, #tpu.memory_space<vmem>>, vector<16xi32>,
        %get3A_263 = arith.index_cast %add3A_260 : i32 to index
        %get3A_264 = tpu.vector_load %arg12[%get3A_263] {strides = array<i32>} : memref<8192xf32, #tpu.memory_space<vmem>>, vector<16xf32>,
        %sub3A_265 = arith.constant 49920 : i32
        %sub3A_266 = vector.broadcast %sub3A_265 : i32 to vector<16xi32>
        %sub3A_267 = arith.subi %get3A_262, %sub3A_266 : vector<16xi32>
        %max3A_268 = arith.constant 0 : i32
        %max3A_269 = vector.broadcast %max3A_268 : i32 to vector<16xi32>
        %max3A_270 = arith.maxsi %sub3A_267, %max3A_269 : vector<16xi32>
        %gather3A_271 = tpu.vector_load_idx %arg9[%max3A_270] : memref<50080xf32, #tpu.memory_space<vmem>>[vector<16xi32>], vector<16xf32>,
        %ge3A_272 = arith.constant 49920 : i32
        %ge3A_273 = vector.broadcast %ge3A_272 : i32 to vector<16xi32>
        %ge3A_274 = arith.cmpi sge, %get3A_262, %ge3A_273 : vector<16xi32>
        %select_n3A_275 = arith.select %ge3A_274, %gather3A_271, %get3A_264 : vector<16xi1>, vector<16xf32>
        %swap3A_276 = arith.index_cast %add3A_260 : i32 to index
        %swap3A_277 = tpu.vector_load %arg12[%swap3A_276] {strides = array<i32>} : memref<8192xf32, #tpu.memory_space<vmem>>, vector<16xf32>,
        tpu.vector_store %arg12[%swap3A_276], %select_n3A_275 {strides = array<i32>} : memref<8192xf32, #tpu.memory_space<vmem>>, vector<16xf32>,
        %mul3A_278 = arith.constant 128 : i32
        %mul3A_279 = arith.muli %scan3A_216, %mul3A_278 : i32
        %add3A_280 = arith.constant 48 : i32
        %add3A_281 = arith.addi %mul3A_279, %add3A_280 : i32
        %get3A_282 = arith.index_cast %add3A_281 : i32 to index
        %get3A_283 = tpu.vector_load %arg11[%get3A_282] {strides = array<i32>} : memref<8192xi32, #tpu.memory_space<vmem>>, vector<16xi32>,
        %get3A_284 = arith.index_cast %add3A_281 : i32 to index
        %get3A_285 = tpu.vector_load %arg12[%get3A_284] {strides = array<i32>} : memref<8192xf32, #tpu.memory_space<vmem>>, vector<16xf32>,
        %sub3A_286 = arith.constant 49920 : i32
        %sub3A_287 = vector.broadcast %sub3A_286 : i32 to vector<16xi32>
        %sub3A_288 = arith.subi %get3A_283, %sub3A_287 : vector<16xi32>
        %max3A_289 = arith.constant 0 : i32
        %max3A_290 = vector.broadcast %max3A_289 : i32 to vector<16xi32>
        %max3A_291 = arith.maxsi %sub3A_288, %max3A_290 : vector<16xi32>
        %gather3A_292 = tpu.vector_load_idx %arg9[%max3A_291] : memref<50080xf32, #tpu.memory_space<vmem>>[vector<16xi32>], vector<16xf32>,
        %ge3A_293 = arith.constant 49920 : i32
        %ge3A_294 = vector.broadcast %ge3A_293 : i32 to vector<16xi32>
        %ge3A_295 = arith.cmpi sge, %get3A_283, %ge3A_294 : vector<16xi32>
        %select_n3A_296 = arith.select %ge3A_295, %gather3A_292, %get3A_285 : vector<16xi1>, vector<16xf32>
        %swap3A_297 = arith.index_cast %add3A_281 : i32 to index
        %swap3A_298 = tpu.vector_load %arg12[%swap3A_297] {strides = array<i32>} : memref<8192xf32, #tpu.memory_space<vmem>>, vector<16xf32>,
        tpu.vector_store %arg12[%swap3A_297], %select_n3A_296 {strides = array<i32>} : memref<8192xf32, #tpu.memory_space<vmem>>, vector<16xf32>,
        %mul3A_299 = arith.constant 128 : i32
        %mul3A_300 = arith.muli %scan3A_216, %mul3A_299 : i32
        %add3A_301 = arith.constant 64 : i32
        %add3A_302 = arith.addi %mul3A_300, %add3A_301 : i32
        %get3A_303 = arith.index_cast %add3A_302 : i32 to index
        %get3A_304 = tpu.vector_load %arg11[%get3A_303] {strides = array<i32>} : memref<8192xi32, #tpu.memory_space<vmem>>, vector<16xi32>,
        %get3A_305 = arith.index_cast %add3A_302 : i32 to index
        %get3A_306 = tpu.vector_load %arg12[%get3A_305] {strides = array<i32>} : memref<8192xf32, #tpu.memory_space<vmem>>, vector<16xf32>,
        %sub3A_307 = arith.constant 49920 : i32
        %sub3A_308 = vector.broadcast %sub3A_307 : i32 to vector<16xi32>
        %sub3A_309 = arith.subi %get3A_304, %sub3A_308 : vector<16xi32>
        %max3A_310 = arith.constant 0 : i32
        %max3A_311 = vector.broadcast %max3A_310 : i32 to vector<16xi32>
        %max3A_312 = arith.maxsi %sub3A_309, %max3A_311 : vector<16xi32>
        %gather3A_313 = tpu.vector_load_idx %arg9[%max3A_312] : memref<50080xf32, #tpu.memory_space<vmem>>[vector<16xi32>], vector<16xf32>,
        %ge3A_314 = arith.constant 49920 : i32
        %ge3A_315 = vector.broadcast %ge3A_314 : i32 to vector<16xi32>
        %ge3A_316 = arith.cmpi sge, %get3A_304, %ge3A_315 : vector<16xi32>
        %select_n3A_317 = arith.select %ge3A_316, %gather3A_313, %get3A_306 : vector<16xi1>, vector<16xf32>
        %swap3A_318 = arith.index_cast %add3A_302 : i32 to index
        %swap3A_319 = tpu.vector_load %arg12[%swap3A_318] {strides = array<i32>} : memref<8192xf32, #tpu.memory_space<vmem>>, vector<16xf32>,
        tpu.vector_store %arg12[%swap3A_318], %select_n3A_317 {strides = array<i32>} : memref<8192xf32, #tpu.memory_space<vmem>>, vector<16xf32>,
        %mul3A_320 = arith.constant 128 : i32
        %mul3A_321 = arith.muli %scan3A_216, %mul3A_320 : i32
        %add3A_322 = arith.constant 80 : i32
        %add3A_323 = arith.addi %mul3A_321, %add3A_322 : i32
        %get3A_324 = arith.index_cast %add3A_323 : i32 to index
        %get3A_325 = tpu.vector_load %arg11[%get3A_324] {strides = array<i32>} : memref<8192xi32, #tpu.memory_space<vmem>>, vector<16xi32>,
        %get3A_326 = arith.index_cast %add3A_323 : i32 to index
        %get3A_327 = tpu.vector_load %arg12[%get3A_326] {strides = array<i32>} : memref<8192xf32, #tpu.memory_space<vmem>>, vector<16xf32>,
        %sub3A_328 = arith.constant 49920 : i32
        %sub3A_329 = vector.broadcast %sub3A_328 : i32 to vector<16xi32>
        %sub3A_330 = arith.subi %get3A_325, %sub3A_329 : vector<16xi32>
        %max3A_331 = arith.constant 0 : i32
        %max3A_332 = vector.broadcast %max3A_331 : i32 to vector<16xi32>
        %max3A_333 = arith.maxsi %sub3A_330, %max3A_332 : vector<16xi32>
        %gather3A_334 = tpu.vector_load_idx %arg9[%max3A_333] : memref<50080xf32, #tpu.memory_space<vmem>>[vector<16xi32>], vector<16xf32>,
        %ge3A_335 = arith.constant 49920 : i32
        %ge3A_336 = vector.broadcast %ge3A_335 : i32 to vector<16xi32>
        %ge3A_337 = arith.cmpi sge, %get3A_325, %ge3A_336 : vector<16xi32>
        %select_n3A_338 = arith.select %ge3A_337, %gather3A_334, %get3A_327 : vector<16xi1>, vector<16xf32>
        %swap3A_339 = arith.index_cast %add3A_323 : i32 to index
        %swap3A_340 = tpu.vector_load %arg12[%swap3A_339] {strides = array<i32>} : memref<8192xf32, #tpu.memory_space<vmem>>, vector<16xf32>,
        tpu.vector_store %arg12[%swap3A_339], %select_n3A_338 {strides = array<i32>} : memref<8192xf32, #tpu.memory_space<vmem>>, vector<16xf32>,
        %mul3A_341 = arith.constant 128 : i32
        %mul3A_342 = arith.muli %scan3A_216, %mul3A_341 : i32
        %add3A_343 = arith.constant 96 : i32
        %add3A_344 = arith.addi %mul3A_342, %add3A_343 : i32
        %get3A_345 = arith.index_cast %add3A_344 : i32 to index
        %get3A_346 = tpu.vector_load %arg11[%get3A_345] {strides = array<i32>} : memref<8192xi32, #tpu.memory_space<vmem>>, vector<16xi32>,
        %get3A_347 = arith.index_cast %add3A_344 : i32 to index
        %get3A_348 = tpu.vector_load %arg12[%get3A_347] {strides = array<i32>} : memref<8192xf32, #tpu.memory_space<vmem>>, vector<16xf32>,
        %sub3A_349 = arith.constant 49920 : i32
        %sub3A_350 = vector.broadcast %sub3A_349 : i32 to vector<16xi32>
        %sub3A_351 = arith.subi %get3A_346, %sub3A_350 : vector<16xi32>
        %max3A_352 = arith.constant 0 : i32
        %max3A_353 = vector.broadcast %max3A_352 : i32 to vector<16xi32>
        %max3A_354 = arith.maxsi %sub3A_351, %max3A_353 : vector<16xi32>
        %gather3A_355 = tpu.vector_load_idx %arg9[%max3A_354] : memref<50080xf32, #tpu.memory_space<vmem>>[vector<16xi32>], vector<16xf32>,
        %ge3A_356 = arith.constant 49920 : i32
        %ge3A_357 = vector.broadcast %ge3A_356 : i32 to vector<16xi32>
        %ge3A_358 = arith.cmpi sge, %get3A_346, %ge3A_357 : vector<16xi32>
        %select_n3A_359 = arith.select %ge3A_358, %gather3A_355, %get3A_348 : vector<16xi1>, vector<16xf32>
        %swap3A_360 = arith.index_cast %add3A_344 : i32 to index
        %swap3A_361 = tpu.vector_load %arg12[%swap3A_360] {strides = array<i32>} : memref<8192xf32, #tpu.memory_space<vmem>>, vector<16xf32>,
        tpu.vector_store %arg12[%swap3A_360], %select_n3A_359 {strides = array<i32>} : memref<8192xf32, #tpu.memory_space<vmem>>, vector<16xf32>,
        %mul3A_362 = arith.constant 128 : i32
        %mul3A_363 = arith.muli %scan3A_216, %mul3A_362 : i32
        %add3A_364 = arith.constant 112 : i32
        %add3A_365 = arith.addi %mul3A_363, %add3A_364 : i32
        %get3A_366 = arith.index_cast %add3A_365 : i32 to index
        %get3A_367 = tpu.vector_load %arg11[%get3A_366] {strides = array<i32>} : memref<8192xi32, #tpu.memory_space<vmem>>, vector<16xi32>,
        %get3A_368 = arith.index_cast %add3A_365 : i32 to index
        %get3A_369 = tpu.vector_load %arg12[%get3A_368] {strides = array<i32>} : memref<8192xf32, #tpu.memory_space<vmem>>, vector<16xf32>,
        %sub3A_370 = arith.constant 49920 : i32
        %sub3A_371 = vector.broadcast %sub3A_370 : i32 to vector<16xi32>
        %sub3A_372 = arith.subi %get3A_367, %sub3A_371 : vector<16xi32>
        %max3A_373 = arith.constant 0 : i32
        %max3A_374 = vector.broadcast %max3A_373 : i32 to vector<16xi32>
        %max3A_375 = arith.maxsi %sub3A_372, %max3A_374 : vector<16xi32>
        %gather3A_376 = tpu.vector_load_idx %arg9[%max3A_375] : memref<50080xf32, #tpu.memory_space<vmem>>[vector<16xi32>], vector<16xf32>,
        %ge3A_377 = arith.constant 49920 : i32
        %ge3A_378 = vector.broadcast %ge3A_377 : i32 to vector<16xi32>
        %ge3A_379 = arith.cmpi sge, %get3A_367, %ge3A_378 : vector<16xi32>
        %select_n3A_380 = arith.select %ge3A_379, %gather3A_376, %get3A_369 : vector<16xi1>, vector<16xf32>
        %swap3A_381 = arith.index_cast %add3A_365 : i32 to index
        %swap3A_382 = tpu.vector_load %arg12[%swap3A_381] {strides = array<i32>} : memref<8192xf32, #tpu.memory_space<vmem>>, vector<16xf32>,
        tpu.vector_store %arg12[%swap3A_381], %select_n3A_380 {strides = array<i32>} : memref<8192xf32, #tpu.memory_space<vmem>>, vector<16xf32>,
        %scan3A_383 = arith.constant 0 : i32
        scf.yield %scan3A_383 : i32
      }
      %scan3A_206 = arith.constant 64 : i32
      %mul3A_207 = arith.constant 8192 : i32
      %mul3A_208 = arith.muli %select_n3A_28, %mul3A_207 : i32
      "tpu.region"() ({
        %run_scoped3A = tpu.sem_alloc : memref<!tpu.dma_semaphore, #tpu.memory_space<semaphore_mem>>
        %dma_start3A = tpu.memref_slice %arg8[%select_n3A, %mul3A_208] : memref<8x16384xf32, #tpu.memory_space<vmem_shared>> -> memref<1x8192xf32, #tpu.memory_space<vmem_shared>>
        %dma_start3A_216 = tpu.memref_squeeze %dma_start3A : memref<1x8192xf32, #tpu.memory_space<vmem_shared>> -> memref<8192xf32, #tpu.memory_space<vmem_shared>>
        %dma_start3A_217 = tpu.memref_slice %arg8[%select_n3A, %mul3A_208] : memref<8x16384xf32, #tpu.memory_space<vmem_shared>> -> memref<1x8192xf32, #tpu.memory_space<vmem_shared>>
        %dma_start3A_218 = tpu.memref_squeeze %dma_start3A_217 : memref<1x8192xf32, #tpu.memory_space<vmem_shared>> -> memref<8192xf32, #tpu.memory_space<vmem_shared>>
        tpu.enqueue_dma source(%arg12 : memref<8192xf32, #tpu.memory_space<vmem>>) target(%dma_start3A_218 : memref<8192xf32, #tpu.memory_space<vmem_shared>>) target_semaphore(%run_scoped3A : memref<!tpu.dma_semaphore, #tpu.memory_space<semaphore_mem>>)
        %dma_wait3A = tpu.memref_slice %arg8[%select_n3A, %mul3A_208] : memref<8x16384xf32, #tpu.memory_space<vmem_shared>> -> memref<1x8192xf32, #tpu.memory_space<vmem_shared>>
        %dma_wait3A_219 = tpu.memref_squeeze %dma_wait3A : memref<1x8192xf32, #tpu.memory_space<vmem_shared>> -> memref<8192xf32, #tpu.memory_space<vmem_shared>>
        %dma_wait3A_220 = tpu.memref_slice %arg8[%select_n3A, %mul3A_208] : memref<8x16384xf32, #tpu.memory_space<vmem_shared>> -> memref<1x8192xf32, #tpu.memory_space<vmem_shared>>
        %dma_wait3A_221 = tpu.memref_squeeze %dma_wait3A_220 : memref<1x8192xf32, #tpu.memory_space<vmem_shared>> -> memref<8192xf32, #tpu.memory_space<vmem_shared>>
        tpu.wait_dma2 semaphore(%run_scoped3A : memref<!tpu.dma_semaphore, #tpu.memory_space<semaphore_mem>>) src(%arg12 : memref<8192xf32, #tpu.memory_space<vmem>>) dst(%dma_wait3A_221 : memref<8192xf32, #tpu.memory_space<vmem_shared>>)
        tpu.yield
      }) : () -> ()
      %barrier3A_209 = arith.constant 0 : index
      tpu.barrier barrier_id(%barrier3A_209)
      %eq3A_210 = arith.constant 0 : i32
      %eq3A_211 = arith.cmpi eq, %arg1, %eq3A_210 : i32
      %convert_element_type3A_212 = arith.extui %eq3A_211 : i1 to i32
      %cond3A_213 = arith.constant 0 : i32
      %cond3A_214 = arith.cmpi ne, %convert_element_type3A_212, %cond3A_213 : i32
      scf.if %cond3A_214 {
        %mul3A_216 = arith.constant 8 : i32
        %mul3A_217 = arith.muli %add3A_99, %mul3A_216 : i32
        %dma_start3A = arith.constant 0 : i32
        %dma_start3A_218 = tpu.memref_slice %arg6[%mul3A_217, %dma_start3A] : memref<848x16384xf32, #tpu.memory_space<hbm>> -> memref<8x16384xf32, #tpu.memory_space<hbm>>
        tpu.enqueue_dma source(%arg8 : memref<8x16384xf32, #tpu.memory_space<vmem_shared>>) target(%dma_start3A_218 : memref<8x16384xf32, #tpu.memory_space<hbm>>) target_semaphore(%arg15 : memref<!tpu.dma_semaphore, #tpu.memory_space<semaphore_mem>>)
      } else {
      }
      %scan3A_215 = arith.constant 0 : i32
      scf.yield %scan3A_215 : i32
    }
    %scan3A_73 = arith.constant 52 : i32
    %eq3A_74 = arith.constant 0 : i32
    %eq3A_75 = arith.cmpi eq, %arg1, %eq3A_74 : i32
    %convert_element_type3A_76 = arith.extui %eq3A_75 : i1 to i32
    %cond3A_77 = arith.constant 0 : i32
    %cond3A_78 = arith.cmpi ne, %convert_element_type3A_76, %cond3A_77 : i32
    scf.if %cond3A_78 {
      %add3A_97 = arith.constant 52 : i32
      %add3A_98 = arith.addi %mul3A_29, %add3A_97 : i32
      %sub3A_99 = arith.constant 1 : i32
      %sub3A_100 = arith.subi %add3A_98, %sub3A_99 : i32
      %mul3A_101 = arith.constant 8 : i32
      %mul3A_102 = arith.muli %sub3A_100, %mul3A_101 : i32
      %dma_wait3A = arith.constant 0 : i32
      %dma_wait3A_103 = tpu.memref_slice %arg6[%mul3A_102, %dma_wait3A] : memref<848x16384xf32, #tpu.memory_space<hbm>> -> memref<8x16384xf32, #tpu.memory_space<hbm>>
      tpu.wait_dma2 semaphore(%arg15 : memref<!tpu.dma_semaphore, #tpu.memory_space<semaphore_mem>>) src(%arg8 : memref<8x16384xf32, #tpu.memory_space<vmem_shared>>) dst(%dma_wait3A_103 : memref<8x16384xf32, #tpu.memory_space<hbm>>)
    } else {
    }
    %barrier3A = arith.constant 0 : index
    tpu.barrier barrier_id(%barrier3A)
    %add3A_79 = arith.constant 104 : i32
    %add3A_80 = arith.addi %add3A_79, %arg0 : i32
    %mul3A_81 = arith.constant 8 : i32
    %mul3A_82 = arith.muli %arg0, %mul3A_81 : i32
    %add3A_83 = arith.addi %mul3A_82, %select_n3A : i32
    %mul3A_84 = arith.constant 16384 : i32
    %mul3A_85 = arith.muli %add3A_83, %mul3A_84 : i32
    %mul3A_86 = arith.constant 8192 : i32
    %mul3A_87 = arith.muli %select_n3A_28, %mul3A_86 : i32
    %add3A_88 = arith.addi %mul3A_85, %mul3A_87 : i32
    "tpu.region"() ({
      %run_scoped3A = tpu.sem_alloc : memref<!tpu.dma_semaphore, #tpu.memory_space<semaphore_mem>>
      %dma_start3A = tpu.memref_slice %arg5[%add3A_88] : memref<262144xf32, #tpu.memory_space<hbm>> -> memref<8192xf32, #tpu.memory_space<hbm>>
      %dma_start3A_97 = tpu.memref_slice %arg5[%add3A_88] : memref<262144xf32, #tpu.memory_space<hbm>> -> memref<8192xf32, #tpu.memory_space<hbm>>
      tpu.enqueue_dma source(%dma_start3A_97 : memref<8192xf32, #tpu.memory_space<hbm>>) target(%arg12 : memref<8192xf32, #tpu.memory_space<vmem>>) target_semaphore(%run_scoped3A : memref<!tpu.dma_semaphore, #tpu.memory_space<semaphore_mem>>)
      %dma_wait3A = tpu.memref_slice %arg5[%add3A_88] : memref<262144xf32, #tpu.memory_space<hbm>> -> memref<8192xf32, #tpu.memory_space<hbm>>
      %dma_wait3A_98 = tpu.memref_slice %arg5[%add3A_88] : memref<262144xf32, #tpu.memory_space<hbm>> -> memref<8192xf32, #tpu.memory_space<hbm>>
      tpu.wait_dma2 semaphore(%run_scoped3A : memref<!tpu.dma_semaphore, #tpu.memory_space<semaphore_mem>>) src(%dma_wait3A_98 : memref<8192xf32, #tpu.memory_space<hbm>>) dst(%arg12 : memref<8192xf32, #tpu.memory_space<vmem>>)
      tpu.yield
    }) : () -> ()
    %mul3A_89 = arith.constant 8192 : i32
    %mul3A_90 = arith.muli %select_n3A_28, %mul3A_89 : i32
    "tpu.region"() ({
      %run_scoped3A = tpu.sem_alloc : memref<!tpu.dma_semaphore, #tpu.memory_space<semaphore_mem>>
      %dma_start3A = tpu.memref_slice %arg8[%select_n3A, %mul3A_90] : memref<8x16384xf32, #tpu.memory_space<vmem_shared>> -> memref<1x8192xf32, #tpu.memory_space<vmem_shared>>
      %dma_start3A_97 = tpu.memref_squeeze %dma_start3A : memref<1x8192xf32, #tpu.memory_space<vmem_shared>> -> memref<8192xf32, #tpu.memory_space<vmem_shared>>
      %dma_start3A_98 = tpu.memref_slice %arg8[%select_n3A, %mul3A_90] : memref<8x16384xf32, #tpu.memory_space<vmem_shared>> -> memref<1x8192xf32, #tpu.memory_space<vmem_shared>>
      %dma_start3A_99 = tpu.memref_squeeze %dma_start3A_98 : memref<1x8192xf32, #tpu.memory_space<vmem_shared>> -> memref<8192xf32, #tpu.memory_space<vmem_shared>>
      tpu.enqueue_dma source(%arg12 : memref<8192xf32, #tpu.memory_space<vmem>>) target(%dma_start3A_99 : memref<8192xf32, #tpu.memory_space<vmem_shared>>) target_semaphore(%run_scoped3A : memref<!tpu.dma_semaphore, #tpu.memory_space<semaphore_mem>>)
      %dma_wait3A = tpu.memref_slice %arg8[%select_n3A, %mul3A_90] : memref<8x16384xf32, #tpu.memory_space<vmem_shared>> -> memref<1x8192xf32, #tpu.memory_space<vmem_shared>>
      %dma_wait3A_100 = tpu.memref_squeeze %dma_wait3A : memref<1x8192xf32, #tpu.memory_space<vmem_shared>> -> memref<8192xf32, #tpu.memory_space<vmem_shared>>
      %dma_wait3A_101 = tpu.memref_slice %arg8[%select_n3A, %mul3A_90] : memref<8x16384xf32, #tpu.memory_space<vmem_shared>> -> memref<1x8192xf32, #tpu.memory_space<vmem_shared>>
      %dma_wait3A_102 = tpu.memref_squeeze %dma_wait3A_101 : memref<1x8192xf32, #tpu.memory_space<vmem_shared>> -> memref<8192xf32, #tpu.memory_space<vmem_shared>>
      tpu.wait_dma2 semaphore(%run_scoped3A : memref<!tpu.dma_semaphore, #tpu.memory_space<semaphore_mem>>) src(%arg12 : memref<8192xf32, #tpu.memory_space<vmem>>) dst(%dma_wait3A_102 : memref<8192xf32, #tpu.memory_space<vmem_shared>>)
      tpu.yield
    }) : () -> ()
    %barrier3A_91 = arith.constant 0 : index
    tpu.barrier barrier_id(%barrier3A_91)
    %eq3A_92 = arith.constant 0 : i32
    %eq3A_93 = arith.cmpi eq, %arg1, %eq3A_92 : i32
    %convert_element_type3A_94 = arith.extui %eq3A_93 : i1 to i32
    %cond3A_95 = arith.constant 0 : i32
    %cond3A_96 = arith.cmpi ne, %convert_element_type3A_94, %cond3A_95 : i32
    scf.if %cond3A_96 {
      %mul3A_97 = arith.constant 8 : i32
      %mul3A_98 = arith.muli %add3A_80, %mul3A_97 : i32
      "tpu.region"() ({
        %run_scoped3A = tpu.sem_alloc : memref<!tpu.dma_semaphore, #tpu.memory_space<semaphore_mem>>
        %dma_start3A = arith.constant 0 : i32
        %dma_start3A_99 = tpu.memref_slice %arg6[%mul3A_98, %dma_start3A] : memref<848x16384xf32, #tpu.memory_space<hbm>> -> memref<8x16384xf32, #tpu.memory_space<hbm>>
        tpu.enqueue_dma source(%arg8 : memref<8x16384xf32, #tpu.memory_space<vmem_shared>>) target(%dma_start3A_99 : memref<8x16384xf32, #tpu.memory_space<hbm>>) target_semaphore(%run_scoped3A : memref<!tpu.dma_semaphore, #tpu.memory_space<semaphore_mem>>)
        %dma_wait3A = arith.constant 0 : i32
        %dma_wait3A_100 = tpu.memref_slice %arg6[%mul3A_98, %dma_wait3A] : memref<848x16384xf32, #tpu.memory_space<hbm>> -> memref<8x16384xf32, #tpu.memory_space<hbm>>
        tpu.wait_dma2 semaphore(%run_scoped3A : memref<!tpu.dma_semaphore, #tpu.memory_space<semaphore_mem>>) src(%arg8 : memref<8x16384xf32, #tpu.memory_space<vmem_shared>>) dst(%dma_wait3A_100 : memref<8x16384xf32, #tpu.memory_space<hbm>>)
        tpu.yield
      }) : () -> ()
    } else {
    }
    return
  }
}

</mosaic_0001>

<sc_bundles>
// kernel: kernel.3.cloned.1.call-start
scs
__scs_entry_jumppad:
0x0: {  	(pc) =	sbr.rel $0x88, $3  }
0x1: {  	(tag) =	ssettag $0x0;
	lr =	simm.s32 $0x1  }
0x2: {  	[smem:$0x3F9E] =	sst lr;
	_ =	strace $0xD0000000  }
0x3: {  	_ = 	snop  }
0x4: {  	_ = 	snop  }
0x5: {  	_ = 	snop  }
0x6: {  	_ = 	snop  }
0x7: {  	_ = 	snop  }
__scs_overlays_trampoline_lowered:
0x8: {  	[smem:$0x3FAD] =	sst s0  }
0x9: {  	[smem:$0x3FAE] =	sst s1  }
0xa: {  	[smem:$0x3FAF] =	sst s2  }
0xb: {  	[smem:$0x3FB0] =	sst s3  }
0xc: {  	[smem:$0x3FB1] =	sst s4  }
0xd: {  	[smem:$0x3FB2] =	sst s5  }
0xe: {  	[smem:$0x3FB3] =	sst s6  }
0xf: {  	[smem:$0x3FB4] =	sst s7  }
0x10: {  	[smem:$0x3FB5] =	sst s8  }
0x11: {  	[smem:$0x3FB6] =	sst s9;
	s0 =	simm.s32 @!p0 $0x0  }
0x12: {  	s1 =	sld [smem:$0x3F9C];
	s0 =	simm.s32 @p0 $0x1  }
0x13: {  	[smem:$0x3FB7] =	sst s0;
	s0 =	simm.s32 @!p1 $0x0  }
0x14: {  	s2 =	sld [smem:$0x3F9B];
	s0 =	simm.s32 @p1 $0x1  }
0x15: {  	[smem:$0x3FB8] =	sst s0;
	s0 =	simm.s32 @!p2 $0x0  }
0x16: {  	s3 =	sld [smem:$0x3FDB];
	s0 =	simm.s32 @p2 $0x1  }
0x17: {  	s4 =	simm.s32 $0x1BF5;
	[smem:$0x3FBA] =	sst s0  }
0x18: {  	s0 =	sld [smem:$0x3F9D];
	_ =	swait.ge [sflag:s4], $0x0  }
0x19: {  	s7 =	sld [smem:$0x3F9E]  }
0x1a: {  	s8 =	sadd.s32 $0xFFFFE003, lr  }
0x1b: {  	s9 =	sadd.s32 $0xFFFFFEF7, lr;
	s5 =	simm.s32 $0xFFFFFFFF;
	p2 =	slt.u32 s8, $0xFFFFF086  }
0x1c: {  	p1 =	slt.u32 s9, $0xF7A;
	s5 =	simm.s32 @!p2 $0x0  }
0x1d: {  	s5 =	simm.s32 @p1 $0x1;
	p0 =	seq.s32 s7, s2  }
0x1e: {  	s7 =	smul.u32 @!p0 $0xF7A, s2;
	p2 =	seq.s32 @!p0 s5, $0x0  }
0x1f: {  	s9 =	smul.u32 $0xF7A, s1;
	s8 =	simm.s32 @!p0 $0x1BF5;
	p2 =	por !p2, p0  }
0x20: {  	[sflag:s8] =	ssyncset.s32 @!p0 $0xFFFFF086;
	s6 =	sadd.s32 @!p0 s3, s7;
	s7 =	simm.s32 @!p0 $0x108  }
0x21: {  	s3 =	sadd.s32 s3, s9;
	s6 =	sadd.s32 @!p0 $0x88, s6;
	s7 =	simm.s32 @p2 $0x1082  }
0x22: {  	[simem:s7], [sflag:s8] =	dma.local @!p0 [hbm:s6], $0xF7A  }
0x23: {  	s9 =	sor.u32 $0xD0000000, s2;
	s6 =	simm.s32 $0x108;
	_ =	swait.ge @!p0 [sflag:s8], $0x0  }
0x24: {  	s3 =	sadd.s32 $0x88, s3;
	s6 =	simm.s32 @!p1 $0x1082;
	[sflag:s4] =	ssyncset.s32 $0xFFFFF086  }
0x25: {  	[simem:s6], [sflag:s4] =	dma.local [hbm:s3], $0xF7A  }
0x26: {  	[smem:$0x3F9E] =	sst s1;
	(tag) =	ssettag s2;
	_ =	strace s9  }
0x27: {  	s1 =	sld [smem:$0x3FAE]  }
0x28: {  	s2 =	sld [smem:$0x3FAF]  }
0x29: {  	s4 =	sld [smem:$0x3FB1]  }
0x2a: {  	p0 =	seq.s32 s5, $0x0;
	s5 =	sld [smem:$0x3FB2]  }
0x2b: {  	s6 =	sld [smem:$0x3FB3]  }
0x2c: {  	s7 =	sld [smem:$0x3FB4]  }
0x2d: {  	s3 =	simm.s32 $0x108;
	s8 =	sld [smem:$0x3FB5]  }
0x2e: {  	s3 =	simm.s32 @!p0 $0x1082;
	s9 =	sld [smem:$0x3FB6]  }
0x2f: {  	lr =	sadd.s32 s0, s3;
	s0 =	sld [smem:$0x3FAD]  }
0x30: {  	s3 =	sld [smem:$0x3FB0]  }
0x31: {  	[smem:$0x3FB9] =	sst s10  }
0x32: {  	s10 =	sld [smem:$0x3FB7];
	_ =	sdelay $0x3  }
0x33: {  	p0 =	seq.s32 s10, $0x1;
	s10 =	sld [smem:$0x3FB9];
	_ =	sdelay $0x3  }
0x34: {  	[smem:$0x3FB9] =	sst s10  }
0x35: {  	s10 =	sld [smem:$0x3FB8];
	_ =	sdelay $0x3  }
0x36: {  	p1 =	seq.s32 s10, $0x1;
	s10 =	sld [smem:$0x3FB9];
	_ =	sdelay $0x3  }
0x37: {  	[smem:$0x3FB9] =	sst s10  }
0x38: {  	s10 =	sld [smem:$0x3FBA]  }
0x39: {  	_ = 	snop;
	(pc) =	sbr.ind lr, $3  }
0x3a: {  	_ = 	snop  }
0x3b: {  	_ = 	snop  }
0x3c: {  	p2 =	seq.s32 s10, $0x1;
	s10 =	sld [smem:$0x3FB9]  }
0x3d: {  	_ =	shalt  }
0x3e: {  	_ =	shalt  }
0x3f: {  	_ =	shalt  }
0x40: {  	_ =	shalt  }
0x41: {  	_ =	shalt  }
0x42: {  	_ =	shalt  }
0x43: {  	_ =	shalt  }
0x44: {  	_ =	shalt  }
0x45: {  	_ =	shalt  }
0x46: {  	_ =	shalt  }
0x47: {  	_ =	shalt  }
0x48: {  	_ =	shalt  }
0x49: {  	_ =	shalt  }
0x4a: {  	_ =	shalt  }
0x4b: {  	_ =	shalt  }
0x4c: {  	_ =	shalt  }
0x4d: {  	_ =	shalt  }
0x4e: {  	_ =	shalt  }
0x4f: {  	_ =	shalt  }
0x50: {  	_ =	shalt  }
0x51: {  	_ =	shalt  }
0x52: {  	_ =	shalt  }
0x53: {  	_ =	shalt  }
0x54: {  	_ =	shalt  }
0x55: {  	_ =	shalt  }
0x56: {  	_ =	shalt  }
0x57: {  	_ =	shalt  }
0x58: {  	_ =	shalt  }
0x59: {  	_ =	shalt  }
0x5a: {  	_ =	shalt  }
0x5b: {  	_ =	shalt  }
0x5c: {  	_ =	shalt  }
0x5d: {  	_ =	shalt  }
0x5e: {  	_ =	shalt  }
0x5f: {  	_ =	shalt  }
0x60: {  	_ =	shalt  }
0x61: {  	_ =	shalt  }
0x62: {  	_ =	shalt  }
0x63: {  	_ =	shalt  }
0x64: {  	_ =	shalt  }
0x65: {  	_ =	shalt  }
0x66: {  	_ =	shalt  }
0x67: {  	_ =	shalt  }
0x68: {  	_ =	shalt  }
0x69: {  	_ =	shalt  }
0x6a: {  	_ =	shalt  }
0x6b: {  	_ =	shalt  }
0x6c: {  	_ =	shalt  }
0x6d: {  	_ =	shalt  }
0x6e: {  	_ =	shalt  }
0x6f: {  	_ =	shalt  }
0x70: {  	_ =	shalt  }
0x71: {  	_ =	shalt  }
0x72: {  	_ =	shalt  }
0x73: {  	_ =	shalt  }
0x74: {  	_ =	shalt  }
0x75: {  	_ =	shalt  }
0x76: {  	_ =	shalt  }
0x77: {  	_ =	shalt  }
0x78: {  	_ =	shalt  }
0x79: {  	_ =	shalt  }
0x7a: {  	_ =	shalt  }
0x7b: {  	_ =	shalt  }
0x7c: {  	_ =	shalt  }
0x7d: {  	_ =	shalt  }
0x7e: {  	_ =	shalt  }
0x7f: {  	_ =	shalt  }
0x80: {  	_ =	shalt  }
0x81: {  	_ =	shalt  }
0x82: {  	_ =	shalt  }
0x83: {  	_ =	shalt  }
0x84: {  	_ =	shalt  }
0x85: {  	_ =	shalt  }
0x86: {  	_ =	shalt  }
0x87: {  	_ =	shalt  }
.Lfunc_end0:
.L_simem_size_0:
called_computation_lowered:
.L_overlay_start_0:
0x88: {  	s2 =	sld [smem:$0x3FD9]  }
0x89: {  	s3 =	sld [smem:$0x3FFE];
	_ =	sdelay $0x1  }
0x8a: {  	s1 =	srdreg.scid  }
0x8b: {  	s0 =	sand.u32 $0x1, s1  }
0x8c: {  	s17 =	sshll.u32 s0, $0xA;
	s2 =	sadd.s32 s3, s2  }
0x8d: {  	s2 =	sadd.s32 s2, s17  }
0x8e: {  	[smem:$0x3FC5] =	sst s2  }
0x8f: {  	_ = 	snop  }
0x90: {  	s2 =	sld [smem:$0x3FC7]  }
0x91: {  	s18 =	sld [smem:$0x3FD0];
	(tm) =	ssettm $0x1  }
0x92: {  	s4 =	sld [smem:$0x3FFB];
	_ =	sdelay $0x3  }
0x93: {  	_ =	strace s4  }
0x94: {  	s4 =	sld [smem:$0x3FFC];
	_ =	sdelay $0x3  }
0x95: {  	_ =	strace s4  }
0x96: {  	s4 =	sld [smem:$0x3FFD];
	_ =	sdelay $0x3  }
0x97: {  	_ =	strace s4  }
0x98: {  	_ =	strace $0x8FFFFFFF  }
0x99: {  	s19 =	sld [smem:$0x3FDB];
	_ =	sdelay $0x1  }
0x9a: {  	s5 =	simm.s32 $_scs_section_size  }
0x9b: {  	s6 =	simm.s32 $_size__tile_overlayer_lowered;
	s7 =	simm.s32 $_tile_overlayer_lowered  }
0x9c: {  	s22 =	simm.s32 $0x1BFF;
	s21 =	sshll.u32 s7, $0x1;
	s4 =	sadd.s32 s5, s19  }
0x9d: {  	s8 =	simm.s32 $0x0;
	s20 =	sshll.u32 s6, $0x1;
	s6 =	sadd.s32 s21, s4  }
0x9e: {  	[timem:s8], [sflag:s22] =	dma.local [hbm:s6], s20  }
0x9f: {  	_ =	swait.ge [sflag:s22], s20  }
0xa0: {  	s5 =	ssub.s32 $0x0, s20;
	[sflag:s22] =	ssyncset.done $0x0  }
0xa1: {  	[sflag:s22] =	ssyncadd.s32 s5;
	_ =	sdelay $0x1  }
0xa2: {  	s23 =	simm.s32 $0x1B8B  }
0xa3: {  	_ =	swait.ge [sflag:s23], $0x1  }
0xa4: {  	[sflag:s23] =	ssyncset.done $0x0  }
0xa5: {  	s25 =	simm.s32 $0x1B8E;
	s24 =	sld [smem:$0x3FFE];
	[sflag:s23] =	ssyncadd.s32 $0xFFFFFFFF  }
0xa6: {  	s26 =	simm.s32 $execute0_lowered;
	[smem:$0x3FD2] =	sst s25  }
0xa7: {  	s6 =	sshll.u32 s26, $0x1;
	_ =	strace $0x80000046;
	[dreg:$0x1] =	wrdreg $0xFFFFFFFF  }
0xa8: {  	s28 =	simm.s32 $_size_execute0_lowered;
	s4 =	sadd.s32 s4, s6;
	[dreg:$0x0] =	wrdreg $0x0  }
0xa9: {  	s6 =	sshll.u32 s28, $0x1;
	[dreg:$0x2] =	wrdreg s4  }
0xaa: {  	[dreg:$0x3] =	wrdreg s6  }
0xab: {  	[dreg:$0x4] =	wrdreg $0xC0  }
0xac: {  	_ =	task [dreg:s8], $0x5FFFF  }
0xad: {  	[dreg:$0x1] =	wrdreg $0xFFFFFFFF  }
0xae: {  	[dreg:$0x0] =	wrdreg $0x60  }
0xaf: {  	[dreg:$0x2] =	wrdreg s2  }
0xb0: {  	[dreg:$0x3] =	wrdreg s24  }
0xb1: {  	[dreg:$0x4] =	wrdreg s18  }
0xb2: {  	[dreg:$0x5] =	wrdreg $0x0  }
0xb3: {  	[dreg:$0x6] =	wrdreg $0xC3400  }
0xb4: {  	[dreg:$0x7] =	wrdreg $0x9  }
0xb5: {  	_ =	task.clear_ibuf [dreg:s8], $0x8FFFF;
	_ =	strace $0x90000046  }
0xb6: {  	s29 =	simm.s32 $0x9;
	_ =	strace $0x80000048  }
0xb7: {  	_ =	swait.ge [sflag:s29], $0x1  }
0xb8: {  	[sflag:s29] =	ssyncadd.s32 $0xFFFFFFFF  }
0xb9: {  	_ =	strace $0x90000048  }
0xba: {  	_ =	sfence  }
0xbb: {  	s30 =	sld [smem:$0x0];
	_ =	sdelay $0x2  }
0xbc: {  	s31 =	sshll.u32 s1, $0xD;
	s1 =	sshrl.u32 s1, $0x2  }
0xbd: {  	s3 =	sand.u32 $0x4000, s31;
	s1 =	sadd.s32 s1, s30  }
0xbe: {  	s0 =	sor.u32 s3, s0;
	s1 =	sshll.u32 s1, $0x11  }
0xbf: {  	s0 =	sor.u32 s1, s0  }
0xc0: {  	s0 =	sadd.s32 $0x8F2B, s0  }
0xc1: {  	[sflag:s0] =	ssyncadd.remote.s32 $0x1  }
0xc2: {  	_ =	sfence.sel $0xFFFF  }
0xc3: {  	[dreg:$0x0] =	wrdreg $0xFFFFFFFF;
	(pc) =	sbr.abs _section_cstart, $3  }
0xc4: {  	[dreg:$0x1] =	wrdreg $0xFFFFFFFF  }
0xc5: {  	_ =	task.clear_ibuf [dreg:s8], $0x2FFFF;
	_ =	strace $0x9FFFFFFF  }
0xc6: {  	(tm) =	ssettm $0x7FFFFFFF  }
0xc7: {  	_ =	shalt  }
tec
execute0_lowered:
.L_overlay_start_1:
0x0: {  	(tag) =	ssettag $0x1  }
0x1: {  	s1 =	rddreg [dreg:$0x0]  }
0x2: {  	s0 =	rddreg [dreg:$0x1]  }
0x3: {  	s11 =	rddreg [dreg:$0x3]  }
0x4: {  	s13 =	rddreg [dreg:$0x4];
	s2 =	simm.s32 $0x0;
	s6 =	stileid.u32  }
0x5: {  	s25 =	srdreg.scid;
	[smem:$0x7FF] =	sst s2  }
0x6: {  	s7 =	sshrl.u32 s6, $0x1;
	s3 =	sand.u32 $0x1, s6;
	s2 =	sand.u32 $0x1, s25  }
0x7: {  	s9 =	sadd.s32 $0x400, s0;
	s14 =	sadd.s32 $0xB800, s0;
	p4 =	sgt.s32 s6, $0x1  }
0x8: {  	s28 =	sadd.s32 $0x31000, s11;
	s29 =	sadd.s32 $0x92800, s11;
	s30 =	sadd.s32 $0x18800, s11  }
0x9: {  	s31 =	sadd.s32 $0x61800, s11;
	_ =	strace $0x80000047;
	s4 =	sshll.u32 s7, $0xB  }
0xa: {  	s5 =	sshll.u32 s3, $0xA;
	s8 =	sshll.u32 s2, $0xE;
	s26 =	smul.u32 $0x27B6000, s2  }
0xb: {  	[dreg:$0x6] =	wrdreg s9;
	s12 =	ssub.s32 $0x2, s2;
	s16 =	smul.u32 $0x34, s2  }
0xc: {  	s2 =	smul.u32 $0x4F6C00, s2;
	s24 =	sshll.u32 s3, $0x10;
	s3 =	sshll.u32 s3, $0xD  }
0xd: {  	p0 =	seq.s32 @p4 s6, $0x2;
	[dreg:$0x7] =	wrdreg s14;
	p2 =	seq.s32 @!p4 s6, $0x0  }
0xe: {  	s4 =	sor.u32 s5, s4;
	s10 =	sshrl.u32 s12, $0x1;
	[dreg:$0x14] =	wrdreg s3  }
0xf: {  	p1 =	por p0, !p4;
	p3 =	por p2, p4;
	s4 =	sor.u32 s8, s4  }
0x10: {  	s5 =	sshrl.u32 s26, $0x3;
	s15 =	ssub.s32 s12, s10;
	[dreg:$0x8] =	wrdreg s16  }
0x11: {  	s12 =	sadd.s32 $0x49800, s11;
	s2 =	sadd.s32 s1, s2;
	s26 =	sadd.s32 s8, s14  }
0x12: {  	p1 =	seq.s32 @!p1 s6, $0x3;
	s16 =	simm.s32 $0x80;
	s4 =	sadd.s32 s4, s0  }
0x13: {  	s5 =	sadd.s32 s1, s5;
	[dreg:$0xf] =	wrdreg s2;
	s0 =	smax.u32 s15, $0x1  }
0x14: {  	s2 =	sadd.s32 s24, s13;
	s17 =	sadd.s32 $0x9300, s5;
	[dreg:$0x13] =	wrdreg s0  }
0x15: {  	p1 =	por @p4 !p1, p0;
	s18 =	sadd.s32 $0x15600, s5;
	[dreg:$0x9] =	wrdreg s17  }
0x16: {  	p0 =	por !p0, !p4;
	s19 =	sadd.s32 $0x6200, s5;
	[dreg:$0xa] =	wrdreg s18  }
0x17: {  	s15 =	simm.s32 $0x4;
	s20 =	sadd.s32 $0x12500, s5;
	[dreg:$0xb] =	wrdreg s19  }
0x18: {  	s21 =	sadd.s32 $0x3100, s5;
	s22 =	sadd.s32 $0xF400, s5;
	[dreg:$0xc] =	wrdreg s20  }
0x19: {  	s23 =	sadd.s32 $0xC300, s5;
	s0 =	simm.s32 @!p0 $0x0;
	[dreg:$0xd] =	wrdreg s21  }
0x1a: {  	[dreg:$0xe] =	wrdreg s22;
	s0 =	simm.s32 @p0 $0x1;
	p0 =	por p1, !p4  }
0x1b: {  	s25 =	sadd.s32 $0x3800, s4;
	[smem:$0x7F6] =	sst s0;
	s0 =	simm.s32 @!p0 $0x0  }
0x1c: {  	[dreg:$0x10] =	wrdreg s23;
	p1 =	por !p1, !p4;
	s0 =	simm.s32 @p0 $0x1  }
0x1d: {  	s4 =	simm.s32 $0x0;
	[smem:$0x7F7] =	sst s0;
	s0 =	simm.s32 @!p1 $0x0  }
0x1e: {  	p0 =	seq.s32 @!p3 s6, $0x1;
	s0 =	simm.s32 @p1 $0x1;
	p1 =	por !p2, p4  }
0x1f: {  	p0 =	por @!p4 !p0, p2;
	[smem:$0x7F8] =	sst s0;
	s0 =	simm.s32 @!p1 $0x0  }
0x20: {  	[dreg:$0x11] =	wrdreg s25;
	s0 =	simm.s32 @p1 $0x1;
	p1 =	por p0, p4  }
0x21: {  	s20 =	sshll.u32 s7, $0x7;
	[smem:$0x7F9] =	sst s0;
	s0 =	simm.s32 @!p1 $0x0  }
0x22: {  	s17 =	simm.s32 $0x400;
	s18 =	simm.s32 $0xE340;
	s0 =	simm.s32 @p1 $0x1  }
0x23: {  	s21 =	simm.s32 $0x1CB40;
	[smem:$0x7FA] =	sst s0;
	s0 =	simm.s32 @!p4 $0x0  }
0x24: {  	s22 =	sadd.s32 s20, s2;
	p0 =	por !p0, p4;
	s0 =	simm.s32 @p4 $0x1  }
.Ltmp0:
0x25: {  	[smem:$0x7FB] =	sst s0;
	s0 =	simm.s32 @!p0 $0x0;
	(pc) =	sbr.rel .LBB2_1-.Ltmp0, $4  }
0x26: {  	s2 =	sadd.s32 $0x1A0000, s26;
	s0 =	simm.s32 @p0 $0x1;
	p0 =	sne.s32 s6, $0x0  }
0x27: {  	s26 =	sadd.s32 $0xAB000, s11;
	[smem:$0x7FC] =	sst s0;
	s0 =	simm.s32 @!p0 $0x0  }
0x28: {  	s13 =	sadd.s32 s20, s31;
	[dreg:$0x12] =	wrdreg s2;
	s0 =	simm.s32 @p0 $0x1  }
0x29: {  	[smem:$0x7FD] =	sst s0;
	s0 =	sadd.s32 $0x7A000, s11;
	s11 =	sadd.s32 s20, s11  }
.LBB2_8:
0x2a: {  	s2 =	simm.s32 $0x3  }
0x2b: {  	_ =	swait.ge [sflag:s2], $0x4000  }
0x2c: {  	[sflag:s2] =	ssyncset.done $0x0  }
0x2d: {  	[sflag:s2] =	ssyncadd.s32 $0xFFFFC000  }
.LBB2_9:
0x2e: {  	[bflag:$0x0] =	sbarrier.arrive $0xFFFF  }
0x2f: {  	s2 =	simm.s32 $0x0;
	s4 =	simm.s32 $0x1CB40;
	s3 =	rddreg [dreg:$0x11]  }
0x30: {  	[tilespmem:s4], [sflag:$0x4] =	stream.linear.gather [hbm4b:s3+s2], $0x2000, $0x38;
	[tilespmem:$0x1EB40] =	vst v63  }
0x31: {  	_ =	swait.ge [sflag:s15], $0x2000  }
0x32: {  	[sflag:s15] =	ssyncset.done $0x0  }
0x33: {  	[sflag:s15] =	ssyncadd.s32 $0xFFFFE000  }
0x34: {  	[spmem:s22] =	stream.strided.scatter [tilespmem:s4], [sflag:$0x4], $0x2000, s17, s16, $0x38;
	[tilespmem:$0x1EB40] =	vst v63  }
0x35: {  	_ =	swait.ge [sflag:s15], $0x2000  }
0x36: {  	[sflag:s15] =	ssyncset.done $0x0  }
0x37: {  	[sflag:s15] =	ssyncadd.s32 $0xFFFFE000  }
0x38: {  	[bflag:$0x0] =	sbarrier.arrive $0xFFFF  }
0x39: {  	s23 =	sld [smem:$0x7FD];
	_ =	sdelay $0x2  }
0x3a: {  	s2 =	rddreg [dreg:$0x4];
	p1 =	seq.s32 s23, $0x1  }
0x3b: {  	s4 =	rddreg [dreg:$0x12];
	s2 =	sshrl.u32 @!p1 s2, $0x3;
	s3 =	simm.s32 @!p1 $0x1C04  }
0x3c: {  	[hbm:s4], [sflag:s3] =	dma.local @!p1 [spmem:s2], $0x4000  }
0x3d: {  	s2 =	simm.s32 @!p1 $0x4  }
0x3e: {  	_ =	swait.ge @!p1 [sflag:s2], $0x4000  }
0x3f: {  	s24 =	rddreg [dreg:$0x15]  }
0x40: {  	s25 =	rddreg [dreg:$0x13];
	s4 =	sadd.s32 $0x1, s24  }
0x41: {  	p0 =	sne.s32 s4, s25  }
.Ltmp1:
0x42: {  	_ = 	snop;
	(pc) =	sbr.rel @!p0 .LBB2_10-.Ltmp1, $3  }
0x43: {  	_ =	sdelay $0x1  }
0x44: {  	[sflag:s2] =	ssyncset.done @!p1 $0x0  }
0x45: {  	s21 =	simm.s32 $0x1CB40;
	[sflag:s2] =	ssyncadd.s32 @!p1 $0xFFFFC000  }
.LBB2_1:
0x46: {  	s2 =	sld [smem:$0x7F6];
	_ =	sdelay $0x2  }
0x47: {  	[dreg:$0x15] =	wrdreg s4;
	p2 =	seq.s32 s2, $0x1  }
0x48: {  	s4 =	rddreg [dreg:$0xb];
	s2 =	sshrl.u32 @!p2 s28, $0x3;
	s3 =	simm.s32 @!p2 $0x1C81  }
0x49: {  	[spmem:s2], [sflag:s3] =	dma.local @!p2 [hbm:s4], $0x3100  }
0x4a: {  	s2 =	sshrl.u32 @!p2 s29, $0x3;
	s3 =	simm.s32 @!p2 $0x1C82;
	s4 =	rddreg [dreg:$0xc]  }
0x4b: {  	[spmem:s2], [sflag:s3] =	dma.local @!p2 [hbm:s4], $0x3100  }
0x4c: {  	s2 =	sld [smem:$0x7F7];
	_ =	sdelay $0x2  }
0x4d: {  	p4 =	seq.s32 s2, $0x1  }
0x4e: {  	s4 =	rddreg [dreg:$0x9];
	s2 =	sshrl.u32 @!p4 s12, $0x3;
	s3 =	simm.s32 @!p4 $0x1CC1  }
0x4f: {  	[spmem:s2], [sflag:s3] =	dma.local @!p4 [hbm:s4], $0x3000  }
0x50: {  	s2 =	sshrl.u32 @!p4 s26, $0x3;
	s3 =	simm.s32 @!p4 $0x1CC2;
	s4 =	rddreg [dreg:$0xa]  }
0x51: {  	[spmem:s2], [sflag:s3] =	dma.local @!p4 [hbm:s4], $0x3080  }
0x52: {  	s3 =	sld [smem:$0x7F9];
	_ =	sdelay $0x2  }
0x53: {  	s2 =	rddreg [dreg:$0x3];
	p5 =	seq.s32 s3, $0x1  }
0x54: {  	s4 =	rddreg [dreg:$0xf];
	s2 =	sshrl.u32 @!p5 s2, $0x3;
	s3 =	simm.s32 @!p5 $0x1C01  }
0x55: {  	[spmem:s2], [sflag:s3] =	dma.local @!p5 [hbm:s4], $0x3100  }
0x56: {  	s2 =	sld [smem:$0x7F8];
	_ =	sdelay $0x1  }
0x57: {  	p1 =	por @!p4 $0x0, $0x0;
	p3 =	por @!p4 $0x1, $0x1;
	s3 =	simm.s32 @!p5 $0x1C02  }
0x58: {  	s4 =	rddreg [dreg:$0x10];
	p4 =	seq.s32 s2, $0x1;
	s2 =	sshrl.u32 @!p5 s31, $0x3  }
0x59: {  	[spmem:s2], [sflag:s3] =	dma.local @!p5 [hbm:s4], $0x3100  }
0x5a: {  	s2 =	sld [smem:$0x7FA]  }
0x5b: {  	p6 =	por $0x0, $0x0  }
0x5c: {  	p0 =	por @!p2 $0x0, $0x0;
	p3 =	por @!p4 p6, p6  }
0x5d: {  	p1 =	por @!p4 p6, p6;
	s4 =	rddreg [dreg:$0xd];
	p6 =	seq.s32 s2, $0x1  }
0x5e: {  	p3 =	por @!p2 p0, p0;
	s2 =	sshrl.u32 @!p6 s30, $0x3;
	s3 =	simm.s32 @!p6 $0x1C41  }
0x5f: {  	[spmem:s2], [sflag:s3] =	dma.local @!p6 [hbm:s4], $0x3100  }
0x60: {  	s2 =	simm.s32 @!p3 $0x0  }
0x61: {  	s2 =	simm.s32 @p3 $0x1;
	s4 =	rddreg [dreg:$0xe]  }
0x62: {  	s3 =	simm.s32 @!p6 $0x1C42;
	[smem:$0x7F4] =	sst s2;
	s2 =	sshrl.u32 @!p6 s0, $0x3  }
0x63: {  	[spmem:s2], [sflag:s3] =	dma.local @!p6 [hbm:s4], $0x3100  }
0x64: {  	p4 =	por p1, p1;
	s2 =	sld [smem:$0x7FC]  }
0x65: {  	p4 =	por @!p2 p0, p0;
	p0 =	por @!p2 $0x1, $0x1;
	s23 =	sld [smem:$0x7FC]  }
0x66: {  	p1 =	por @!p2 p0, p0;
	p0 =	por @!p6 $0x1, $0x1;
	p2 =	por @!p6 $0x0, $0x0  }
0x67: {  	p6 =	por $0x0, $0x0;
	s24 =	sld [smem:$0x7FB];
	p3 =	seq.s32 s2, $0x1  }
0x68: {  	p0 =	por @!p3 p6, p6;
	p6 =	por $0x0, $0x0;
	p3 =	seq.s32 s23, $0x1  }
0x69: {  	s25 =	sld [smem:$0x7F4];
	p2 =	por @!p3 p6, p6;
	p6 =	por @!p5 $0x0, $0x0  }
0x6a: {  	p0 =	por @!p5 p6, p6;
	p2 =	por @!p5 p6, p6;
	p5 =	seq.s32 s24, $0x1  }
0x6b: {  	p4 =	por @!p5 p0, p0  }
0x6c: {  	p0 =	seq.s32 s25, $0x1;
	s2 =	simm.s32 @!p4 $0x0  }
0x6d: {  	p0 =	por @!p5 p2, p2;
	s2 =	simm.s32 @p4 $0x1  }
.Ltmp2:
0x6e: {  	[smem:$0x7F3] =	sst s2;
	s2 =	simm.s32 @!p0 $0x0;
	(pc) =	sbr.rel .LBB2_2-.Ltmp2, $4  }
0x6f: {  	p1 =	por @!p5 p2, p2;
	s2 =	simm.s32 @p0 $0x1  }
0x70: {  	[smem:$0x7F4] =	sst s2;
	s2 =	simm.s32 @!p1 $0x0  }
0x71: {  	s2 =	simm.s32 @p1 $0x1  }
0x72: {  	s25 =	simm.s32 $0x0;
	[smem:$0x7F5] =	sst s2  }
.LBB2_7:
0x73: {  	s25 =	sadd.s32 $0x1, s25  }
0x74: {  	p0 =	seq.s32 s25, $0x34  }
.Ltmp3:
0x75: {  	_ = 	snop;
	(pc) =	sbr.rel @p0 .LBB2_8-.Ltmp3, $4  }
0x76: {  	s3 =	rddreg [dreg:$0x7]  }
0x77: {  	s2 =	sshll.u32 s4, $0xE;
	s23 =	rddreg [dreg:$0x4]  }
0x78: {  	s24 =	simm.s32 $0x1C03;
	s2 =	sadd.s32 s3, s2;
	s3 =	sshrl.u32 s23, $0x3  }
0x79: {  	[hbm:s2], [sflag:s24] =	dma.local [spmem:s3], $0x4000  }
.LBB2_2:
0x7a: {  	s2 =	sld [smem:$0x7FD];
	_ =	sdelay $0x2  }
0x7b: {  	p5 =	seq.s32 s2, $0x1  }
0x7c: {  	s2 =	simm.s32 @!p5 $0x1  }
0x7d: {  	_ =	swait.ge @!p5 [sflag:s2], $0x3100  }
0x7e: {  	s8 =	sld [smem:$0x7F3];
	_ =	sdelay $0x2  }
0x7f: {  	[sflag:s2] =	ssyncset.done @!p5 $0x0;
	p6 =	seq.s32 s8, $0x1  }
0x80: {  	[sflag:s2] =	ssyncadd.s32 @!p5 $0xFFFFCF00;
	s2 =	simm.s32 @p6 $0x1  }
0x81: {  	_ =	swait.ge @p6 [sflag:s2], $0x3100  }
0x82: {  	s9 =	sld [smem:$0x7F5];
	_ =	sdelay $0x2  }
0x83: {  	[sflag:s2] =	ssyncset.done @p6 $0x0;
	p4 =	seq.s32 s9, $0x1  }
0x84: {  	[sflag:s2] =	ssyncadd.s32 @p6 $0xFFFFCF00;
	s2 =	simm.s32 @p4 $0x1  }
0x85: {  	_ =	swait.ge @p4 [sflag:s2], $0x3100  }
0x86: {  	s10 =	sld [smem:$0x7F4];
	_ =	sdelay $0x2  }
0x87: {  	[sflag:s2] =	ssyncset.done @p4 $0x0;
	p3 =	seq.s32 s10, $0x1  }
0x88: {  	[sflag:s2] =	ssyncadd.s32 @p4 $0xFFFFCF00;
	s2 =	simm.s32 @p3 $0x1  }
0x89: {  	_ =	swait.ge @p3 [sflag:s2], $0x3000  }
0x8a: {  	[sflag:s2] =	ssyncset.done @p3 $0x0  }
0x8b: {  	[sflag:s2] =	ssyncadd.s32 @p3 $0xFFFFD000;
	s2 =	simm.s32 @!p5 $0x2  }
0x8c: {  	_ =	swait.ge @!p5 [sflag:s2], $0x3100  }
0x8d: {  	[sflag:s2] =	ssyncset.done @!p5 $0x0  }
0x8e: {  	[sflag:s2] =	ssyncadd.s32 @!p5 $0xFFFFCF00;
	s2 =	simm.s32 @p6 $0x2  }
0x8f: {  	_ =	swait.ge @p6 [sflag:s2], $0x3100  }
0x90: {  	[sflag:s2] =	ssyncset.done @p6 $0x0  }
0x91: {  	[sflag:s2] =	ssyncadd.s32 @p6 $0xFFFFCF00;
	s2 =	simm.s32 @p4 $0x2  }
0x92: {  	_ =	swait.ge @p4 [sflag:s2], $0x3100  }
0x93: {  	s3 =	sand.u32 $0x3, s25;
	s4 =	rddreg [dreg:$0x8]  }
0x94: {  	p0 =	sne.s32 s3, $0x0;
	[sflag:s2] =	ssyncset.done @p4 $0x0;
	s4 =	sadd.s32 s4, s25  }
0x95: {  	[sflag:s2] =	ssyncadd.s32 @p4 $0xFFFFCF00;
	s2 =	simm.s32 @p3 $0x2;
	s3 =	sor.u32 @!p0 s7, s4  }
0x96: {  	p1 =	sne.s32 @!p0 s7, $0x0;
	_ =	swait.ge @p3 [sflag:s2], $0x3080;
	p2 =	seq.s32 @!p0 s3, $0x0  }
0x97: {  	[sflag:s2] =	ssyncset.done @p3 $0x0;
	p1 =	por @!p0 !p1, !p2;
	p2 =	seq.s32 @!p5 s25, $0x0  }
0x98: {  	[sflag:s2] =	ssyncadd.s32 @p3 $0xFFFFCF80;
	p1 =	por @!p0 !p1, !p1;
	p2 =	por p2, p5  }
0x99: {  	s2 =	simm.s32 @!p0 $0x1;
	p1 =	por !p1, p0;
	s3 =	simm.s32 @!p2 $0x3  }
0x9a: {  	s5 =	sshrl.u32 @!p0 s4, $0x2;
	s2 =	simm.s32 @p1 $0x0;
	_ =	swait.ge @!p2 [sflag:s3], $0x4000  }
0x9b: {  	s2 =	ssub.s32 @!p0 s5, s2;
	[sflag:s3] =	ssyncset.done @!p2 $0x0  }
0x9c: {  	s2 =	sshll.u32 @!p0 s2, $0xE;
	[sflag:s3] =	ssyncadd.s32 @!p2 $0xFFFFC000;
	s3 =	rddreg [dreg:$0x14]  }
0x9d: {  	s2 =	sor.u32 @!p0 s3, s2;
	[bflag:$0x0] =	sbarrier.arrive $0xFFFF  }
0x9e: {  	s2 =	sshrl.u32 @!p0 s2, $0x3;
	s3 =	rddreg [dreg:$0x2]  }
0x9f: {  	s5 =	simm.s32 @!p0 $0x1AB40;
	s2 =	sadd.s32 @!p0 s3, s2;
	s3 =	simm.s32 @!p0 $0x0  }
0xa0: {  	[tilespmem:s5], [sflag:$0x4] =	stream.linear.gather @!p0 [hbm4b:s2+s3], $0x2000, $0x38;
	[tilespmem:$0x1EB40] =	vst v63  }
0xa1: {  	s2 =	simm.s32 @!p0 $0x4  }
0xa2: {  	s23 =	simm.s32 $0x0;
	_ =	swait.ge @!p0 [sflag:s2], $0x2000  }
0xa3: {  	s14 =	sshll.u32 s4, $0x7;
	[sflag:s2] =	ssyncset.done @!p0 $0x0;
	s19 =	rddreg [dreg:$0x6]  }
0xa4: {  	s24 =	simm.s32 $0x1A740;
	[sflag:s2] =	ssyncadd.s32 @!p0 $0xFFFFE000;
	s2 =	sadd.s32 s19, s14  }
0xa5: {  	[tilespmem:s24], [sflag:$0x4] =	stream.linear.gather [hbm4b:s2+s23], $0x400, $0x38;
	[tilespmem:$0x1EB40] =	vst v63  }
0xa6: {  	_ =	swait.ge [sflag:s15], $0x400  }
0xa7: {  	[sflag:s15] =	ssyncset.done $0x0  }
0xa8: {  	[sflag:s15] =	ssyncadd.s32 $0xFFFFFC00  }
0xa9: {  	[tilespmem:s18], [sflag:$0x4] =	stream.strided.gather [spmem:s11], $0xC300, s17, s16, $0x38;
	[tilespmem:$0x1EB40] =	vst v63  }
0xaa: {  	p0 =	seq.s32 s25, $0x33;
	_ =	swait.ge [sflag:s15], $0xC300  }
0xab: {  	p1 =	sne.s32 @!p0 s6, $0x0;
	[sflag:s15] =	ssyncset.done $0x0  }
0xac: {  	s23 =	sadd.s32 @!p0 $0x1, s4;
	p1 =	por p1, p0;
	[sflag:s15] =	ssyncadd.s32 $0xFFFF3D00  }
0xad: {  	p5 =	por !p6, p0;
	s2 =	smul.u32 @!p1 $0x18700, s23;
	[bflag:$0x0] =	sbarrier.arrive $0xFFFF  }
0xae: {  	s8 =	smul.u32 @!p5 $0xC3800, s23;
	s3 =	rddreg [dreg:$0x3]  }
0xaf: {  	s5 =	simm.s32 @!p1 $0x1C01;
	s2 =	sadd.s32 @!p1 s1, s2;
	s3 =	sshrl.u32 @!p1 s3, $0x3  }
0xb0: {  	[spmem:s3], [sflag:s5] =	dma.local @!p1 [hbm:s2], $0x3100  }
0xb1: {  	s9 =	sshll.u32 @!p5 s6, $0x6;
	p6 =	por p1, p1;
	s2 =	sshrl.u32 @!p5 s8, $0x3  }
0xb2: {  	p1 =	por !p4, p0;
	s3 =	sor.u32 @!p5 $0x1C01, s9;
	s24 =	sadd.s32 @!p5 s1, s2  }
0xb3: {  	s5 =	sshrl.u32 @!p5 s30, $0x3;
	s8 =	smul.u32 @!p1 $0xC3800, s23;
	s2 =	sadd.s32 @!p5 $0x3100, s24  }
0xb4: {  	[spmem:s5], [sflag:s3] =	dma.local @!p5 [hbm:s2], $0x3100  }
0xb5: {  	p0 =	por !p3, p0;
	s2 =	sshrl.u32 @!p1 s8, $0x3  }
0xb6: {  	s10 =	sshrl.u32 @!p1 s28, $0x3;
	s5 =	sshll.u32 @!p1 s6, $0x6;
	s2 =	sadd.s32 @!p1 s1, s2  }
0xb7: {  	s14 =	smul.u32 @!p0 $0xC3800, s23;
	s8 =	sor.u32 @!p1 $0x1C01, s5;
	s3 =	sadd.s32 @!p1 $0x6200, s2  }
0xb8: {  	[spmem:s10], [sflag:s8] =	dma.local @!p1 [hbm:s3], $0x3100  }
0xb9: {  	s3 =	sshrl.u32 @!p0 s14, $0x3  }
0xba: {  	s14 =	sshll.u32 @!p0 s6, $0x6;
	s3 =	sadd.s32 @!p0 s1, s3  }
0xbb: {  	s19 =	sshrl.u32 @!p0 s12, $0x3;
	s10 =	sor.u32 @!p0 $0x1C01, s14;
	s8 =	sadd.s32 @!p0 $0x9300, s3  }
0xbc: {  	[spmem:s19], [sflag:s10] =	dma.local @!p0 [hbm:s8], $0x3000  }
0xbd: {  	s19 =	simm.s32 $0x0  }
0xbe: {  	v0 =	vld [tilespmem:s19+$0x1AB40];
	_ =	sdelay $0x4  }
0xbf: {  	vm0 =	vlt.s32 v0, $0xC2FF  }
0xc0: {  	v1 =	vld [tilespmem:s19+$0x1AB50];
	v0 =	vnsel vm0, $0xC2FF, v0;
	_ =	sdelay $0x4  }
0xc1: {  	vm9 =	vlt.s32 v1, $0xC2FF;
	v0 =	vld.idx.msk [tilespmem:v0+s18+$0x0], $0xffff  }
0xc2: {  	v2 =	vld [tilespmem:s19+$0x1AB60];
	v1 =	vnsel vm9, $0xC2FF, v1;
	_ =	sdelay $0x3  }
0xc3: {  	[tilespmem:s19+$0x1CB40] =	vst v0  }
0xc4: {  	vm10 =	vlt.s32 v2, $0xC2FF;
	v0 =	vld.idx.msk [tilespmem:v1+s18+$0x0], $0xffff  }
0xc5: {  	v1 =	vnsel vm10, $0xC2FF, v2;
	v2 =	vld [tilespmem:s19+$0x1AB70];
	_ =	sdelay $0x3  }
0xc6: {  	[tilespmem:s19+$0x1CB50] =	vst v0  }
0xc7: {  	vm11 =	vlt.s32 v2, $0xC2FF;
	v0 =	vld.idx.msk [tilespmem:v1+s18+$0x0], $0xffff  }
0xc8: {  	v1 =	vnsel vm11, $0xC2FF, v2;
	v2 =	vld [tilespmem:s19+$0x1AB80];
	_ =	sdelay $0x3  }
0xc9: {  	[tilespmem:s19+$0x1CB60] =	vst v0  }
0xca: {  	vm12 =	vlt.s32 v2, $0xC2FF;
	v0 =	vld.idx.msk [tilespmem:v1+s18+$0x0], $0xffff  }
0xcb: {  	v1 =	vnsel vm12, $0xC2FF, v2;
	v2 =	vld [tilespmem:s19+$0x1AB90];
	_ =	sdelay $0x3  }
0xcc: {  	[tilespmem:s19+$0x1CB70] =	vst v0  }
0xcd: {  	vm13 =	vlt.s32 v2, $0xC2FF;
	v0 =	vld.idx.msk [tilespmem:v1+s18+$0x0], $0xffff  }
0xce: {  	v1 =	vnsel vm13, $0xC2FF, v2;
	v2 =	vld [tilespmem:s19+$0x1ABA0];
	_ =	sdelay $0x3  }
0xcf: {  	[tilespmem:s19+$0x1CB80] =	vst v0  }
0xd0: {  	vm14 =	vlt.s32 v2, $0xC2FF;
	v0 =	vld.idx.msk [tilespmem:v1+s18+$0x0], $0xffff  }
0xd1: {  	v1 =	vld [tilespmem:s19+$0x1ABB0];
	v2 =	vnsel vm14, $0xC2FF, v2;
	_ =	sdelay $0x3  }
0xd2: {  	[tilespmem:s19+$0x1CB90] =	vst v0  }
0xd3: {  	vm15 =	vlt.s32 v1, $0xC2FF;
	v0 =	vld.idx.msk [tilespmem:v2+s18+$0x0], $0xffff  }
0xd4: {  	s10 =	simm.s32 $0x80;
	s8 =	simm.s32 $0x400;
	v1 =	vnsel vm15, $0xC2FF, v1  }
.LBB2_3:
0xd5: {  	p2 =	sne.s32 s8, $0x7E00;
	v2 =	vld [tilespmem:s10+$0x1AB40];
	_ =	sdelay $0x2  }
0xd6: {  	[tilespmem:s19+$0x1CBA0] =	vst v0  }
0xd7: {  	v0 =	vld.idx.msk [tilespmem:v1+s18+$0x0], $0xffff  }
0xd8: {  	vm0 =	vlt.s32 v2, $0xC2FF  }
0xd9: {  	v1 =	vnsel vm0, $0xC2FF, v2  }
0xda: {  	v2 =	vld [tilespmem:s10+$0x1AB50];
	_ =	sdelay $0x2  }
0xdb: {  	[tilespmem:s19+$0x1CBB0] =	vst v0;
	s19 =	smov.u32 s10  }
0xdc: {  	v0 =	vld.idx.msk [tilespmem:v1+s18+$0x0], $0xffff  }
0xdd: {  	vm0 =	vlt.s32 v2, $0xC2FF  }
0xde: {  	v1 =	vnsel vm0, $0xC2FF, v2  }
0xdf: {  	v2 =	vld [tilespmem:s19+$0x1AB60];
	_ =	sdelay $0x2  }
0xe0: {  	[tilespmem:s19+$0x1CB40] =	vst v0  }
0xe1: {  	v0 =	vld.idx.msk [tilespmem:v1+s18+$0x0], $0xffff  }
0xe2: {  	vm0 =	vlt.s32 v2, $0xC2FF  }
0xe3: {  	v1 =	vnsel vm0, $0xC2FF, v2  }
0xe4: {  	v2 =	vld [tilespmem:s19+$0x1AB70];
	_ =	sdelay $0x2  }
0xe5: {  	[tilespmem:s19+$0x1CB50] =	vst v0  }
0xe6: {  	v0 =	vld.idx.msk [tilespmem:v1+s18+$0x0], $0xffff  }
0xe7: {  	vm0 =	vlt.s32 v2, $0xC2FF  }
0xe8: {  	v1 =	vnsel vm0, $0xC2FF, v2  }
0xe9: {  	v2 =	vld [tilespmem:s19+$0x1AB80];
	_ =	sdelay $0x2  }
0xea: {  	[tilespmem:s19+$0x1CB60] =	vst v0  }
0xeb: {  	v0 =	vld.idx.msk [tilespmem:v1+s18+$0x0], $0xffff  }
0xec: {  	vm0 =	vlt.s32 v2, $0xC2FF  }
0xed: {  	v1 =	vnsel vm0, $0xC2FF, v2  }
0xee: {  	v2 =	vld [tilespmem:s19+$0x1AB90];
	_ =	sdelay $0x2  }
0xef: {  	[tilespmem:s19+$0x1CB70] =	vst v0  }
0xf0: {  	v0 =	vld.idx.msk [tilespmem:v1+s18+$0x0], $0xffff  }
0xf1: {  	vm0 =	vlt.s32 v2, $0xC2FF  }
0xf2: {  	v1 =	vnsel vm0, $0xC2FF, v2  }
0xf3: {  	v2 =	vld [tilespmem:s19+$0x1ABA0];
	_ =	sdelay $0x2  }
0xf4: {  	[tilespmem:s19+$0x1CB80] =	vst v0  }
0xf5: {  	v0 =	vld.idx.msk [tilespmem:v1+s18+$0x0], $0xffff  }
0xf6: {  	vm0 =	vlt.s32 v2, $0xC2FF  }
0xf7: {  	v1 =	vnsel vm0, $0xC2FF, v2  }
0xf8: {  	v2 =	vld [tilespmem:s19+$0x1ABB0];
	_ =	sdelay $0x1  }
.Ltmp4:
0xf9: {  	(pc) =	sbr.rel @p2 .LBB2_3-.Ltmp4, $4  }
0xfa: {  	[tilespmem:s19+$0x1CB90] =	vst v0  }
0xfb: {  	v0 =	vld.idx.msk [tilespmem:v1+s18+$0x0], $0xffff  }
0xfc: {  	vm0 =	vlt.s32 v2, $0xC2FF  }
0xfd: {  	s10 =	sshra.s32 s8, $0x2;
	s8 =	sadd.s32 $0x200, s8;
	v1 =	vnsel vm0, $0xC2FF, v2  }
0xfe: {  	v2 =	vld [tilespmem:s10+$0x1AB40];
	_ =	sdelay $0x3  }
0xff: {  	[tilespmem:s19+$0x1CBA0] =	vst v0  }
0x100: {  	v0 =	vld.idx.msk [tilespmem:v1+s18+$0x0], $0xffff;
	vm0 =	vlt.s32 v2, $0xC2FF  }
0x101: {  	v1 =	vnsel vm0, $0xC2FF, v2;
	v2 =	vld [tilespmem:s10+$0x1AB50];
	_ =	sdelay $0x3  }
0x102: {  	[tilespmem:s19+$0x1CBB0] =	vst v0  }
0x103: {  	v0 =	vld.idx.msk [tilespmem:v1+s18+$0x0], $0xffff;
	vm7 =	vlt.s32 v2, $0xC2FF  }
0x104: {  	v1 =	vnsel vm7, $0xC2FF, v2;
	v2 =	vld [tilespmem:s10+$0x1AB60];
	_ =	sdelay $0x3  }
0x105: {  	[tilespmem:s10+$0x1CB40] =	vst v0  }
0x106: {  	v0 =	vld.idx.msk [tilespmem:v1+s18+$0x0], $0xffff;
	vm8 =	vlt.s32 v2, $0xC2FF  }
0x107: {  	v1 =	vnsel vm8, $0xC2FF, v2;
	v2 =	vld [tilespmem:s10+$0x1AB70];
	_ =	sdelay $0x3  }
0x108: {  	[tilespmem:s10+$0x1CB50] =	vst v0  }
0x109: {  	v0 =	vld.idx.msk [tilespmem:v1+s18+$0x0], $0xffff;
	vm9 =	vlt.s32 v2, $0xC2FF  }
0x10a: {  	v1 =	vnsel vm9, $0xC2FF, v2;
	v2 =	vld [tilespmem:s10+$0x1AB80];
	_ =	sdelay $0x3  }
0x10b: {  	[tilespmem:s10+$0x1CB60] =	vst v0  }
0x10c: {  	v0 =	vld.idx.msk [tilespmem:v1+s18+$0x0], $0xffff;
	vm10 =	vlt.s32 v2, $0xC2FF  }
0x10d: {  	v1 =	vnsel vm10, $0xC2FF, v2;
	v2 =	vld [tilespmem:s10+$0x1AB90];
	_ =	sdelay $0x3  }
0x10e: {  	[tilespmem:s10+$0x1CB70] =	vst v0  }
0x10f: {  	v0 =	vld.idx.msk [tilespmem:v1+s18+$0x0], $0xffff;
	vm11 =	vlt.s32 v2, $0xC2FF  }
0x110: {  	v1 =	vnsel vm11, $0xC2FF, v2;
	v2 =	vld [tilespmem:s10+$0x1ABA0];
	_ =	sdelay $0x3  }
0x111: {  	[tilespmem:s10+$0x1CB80] =	vst v0  }
0x112: {  	v0 =	vld.idx.msk [tilespmem:v1+s18+$0x0], $0xffff;
	vm12 =	vlt.s32 v2, $0xC2FF  }
0x113: {  	v1 =	vnsel vm12, $0xC2FF, v2;
	v2 =	vld [tilespmem:s10+$0x1ABB0];
	_ =	sdelay $0x3  }
0x114: {  	[tilespmem:s10+$0x1CB90] =	vst v0  }
0x115: {  	v0 =	vld.idx.msk [tilespmem:v1+s18+$0x0], $0xffff;
	vm13 =	vlt.s32 v2, $0xC2FF  }
0x116: {  	v1 =	vnsel vm13, $0xC2FF, v2;
	_ =	sdelay $0x3  }
0x117: {  	[tilespmem:s10+$0x1CBA0] =	vst v0  }
0x118: {  	v0 =	vld.idx.msk [tilespmem:v1+s18+$0x0], $0xffff;
	_ =	sdelay $0x4  }
0x119: {  	[tilespmem:s10+$0x1CBB0] =	vst v0  }
0x11a: {  	[tilespmem:s18], [sflag:$0x4] =	stream.strided.gather [spmem:s13], $0xC380, s17, s16, $0x38;
	[tilespmem:$0x1EB40] =	vst v63  }
0x11b: {  	_ =	swait.ge [sflag:s15], $0xC380  }
0x11c: {  	[sflag:s15] =	ssyncset.done $0x0  }
0x11d: {  	[sflag:s15] =	ssyncadd.s32 $0xFFFF3C80  }
0x11e: {  	v0 =	vld [tilespmem:s20+$0x1A740];
	_ =	sdelay $0x4  }
0x11f: {  	[tilespmem:$0x1A6C0] =	vst v0  }
0x120: {  	v0 =	vld [tilespmem:s20+$0x1A750]  }
0x121: {  	s8 =	smul.u32 @!p6 $0xC3800, s23;
	_ =	sdelay $0x1  }
0x122: {  	s8 =	sshrl.u32 @!p6 s8, $0x3  }
0x123: {  	s8 =	sadd.s32 @!p6 s1, s8  }
0x124: {  	s9 =	sor.u32 @!p5 $0x1C02, s9;
	s8 =	sadd.s32 @!p6 $0xC300, s8;
	[tilespmem:$0x1A6D0] =	vst v0  }
0x125: {  	s19 =	simm.s32 @!p6 $0x1C02;
	s10 =	sshrl.u32 @!p6 s31, $0x3;
	[bflag:$0x0] =	sbarrier.arrive $0xFFFF  }
0x126: {  	[spmem:s10], [sflag:s19] =	dma.local @!p6 [hbm:s8], $0x3100  }
0x127: {  	s2 =	sadd.s32 @!p1 $0x12500, s2;
	s8 =	sadd.s32 @!p5 $0xF400, s24;
	s10 =	sshrl.u32 @!p5 s0, $0x3  }
0x128: {  	[spmem:s10], [sflag:s9] =	dma.local @!p5 [hbm:s8], $0x3100  }
0x129: {  	s5 =	sor.u32 @!p1 $0x1C02, s5;
	s8 =	sshrl.u32 @!p1 s29, $0x3;
	s9 =	simm.s32 $0x0  }
0x12a: {  	[spmem:s8], [sflag:s5] =	dma.local @!p1 [hbm:s2], $0x3100  }
0x12b: {  	s2 =	sadd.s32 @!p0 $0x15600, s3;
	s3 =	sor.u32 @!p0 $0x1C02, s14;
	s5 =	sshrl.u32 @!p0 s26, $0x3  }
0x12c: {  	[spmem:s5], [sflag:s3] =	dma.local @!p0 [hbm:s2], $0x3080  }
0x12d: {  	v0 =	vld [tilespmem:s9+$0x1AB40];
	_ =	sdelay $0x4  }
0x12e: {  	v1 =	vadd.s32 $0xFFFF3D00, v0  }
0x12f: {  	vm14 =	vgt.s32 v1, $0x0  }
0x130: {  	v2 =	vld [tilespmem:s9+$0x1AB50];
	v1 =	vnsel vm14, $0x0, v1;
	_ =	sdelay $0x3  }
0x131: {  	v3 =	vld [tilespmem:s9+$0x1CB40]  }
0x132: {  	v4 =	vadd.s32 $0xFFFF3D00, v2;
	v1 =	vld.idx.msk [tilespmem:v1+s18+$0x0], $0xffff  }
0x133: {  	vm15 =	vgt.s32 v4, $0x0  }
0x134: {  	v5 =	vld [tilespmem:s9+$0x1AB60];
	v4 =	vnsel vm15, $0x0, v4;
	_ =	sdelay $0x1  }
0x135: {  	vm4 =	vgt.s32 v0, $0xC2FF  }
0x136: {  	v0 =	vsel vm4, v1, v3  }
0x137: {  	v1 =	vld [tilespmem:s9+$0x1CB50];
	[tilespmem:s9+$0x1CB40] =	vst v0  }
0x138: {  	v3 =	vadd.s32 $0xFFFF3D00, v5;
	v0 =	vld.idx.msk [tilespmem:v4+s18+$0x0], $0xffff  }
0x139: {  	vm5 =	vgt.s32 v3, $0x0  }
0x13a: {  	v3 =	vnsel vm5, $0x0, v3;
	v4 =	vld [tilespmem:s9+$0x1AB70];
	_ =	sdelay $0x1  }
0x13b: {  	vm6 =	vgt.s32 v2, $0xC2FF  }
0x13c: {  	v0 =	vsel vm6, v0, v1  }
0x13d: {  	v1 =	vld [tilespmem:s9+$0x1CB60];
	[tilespmem:s9+$0x1CB50] =	vst v0  }
0x13e: {  	v2 =	vadd.s32 $0xFFFF3D00, v4;
	v0 =	vld.idx.msk [tilespmem:v3+s18+$0x0], $0xffff  }
0x13f: {  	vm7 =	vgt.s32 v2, $0x0  }
0x140: {  	v2 =	vnsel vm7, $0x0, v2;
	v3 =	vld [tilespmem:s9+$0x1AB80];
	_ =	sdelay $0x1  }
0x141: {  	vm8 =	vgt.s32 v5, $0xC2FF  }
0x142: {  	v0 =	vsel vm8, v0, v1  }
0x143: {  	v1 =	vld [tilespmem:s9+$0x1CB70];
	[tilespmem:s9+$0x1CB60] =	vst v0  }
0x144: {  	v0 =	vld.idx.msk [tilespmem:v2+s18+$0x0], $0xffff;
	v2 =	vadd.s32 $0xFFFF3D00, v3  }
0x145: {  	vm9 =	vgt.s32 v2, $0x0  }
0x146: {  	v2 =	vnsel vm9, $0x0, v2  }
0x147: {  	v5 =	vld [tilespmem:s9+$0x1AB90]  }
0x148: {  	vm10 =	vgt.s32 v4, $0xC2FF  }
0x149: {  	v0 =	vsel vm10, v0, v1  }
0x14a: {  	[tilespmem:s9+$0x1CB70] =	vst v0  }
0x14b: {  	v0 =	vld.idx.msk [tilespmem:v2+s18+$0x0], $0xffff  }
0x14c: {  	v1 =	vadd.s32 $0xFFFF3D00, v5;
	v2 =	vld [tilespmem:s9+$0x1CB80]  }
0x14d: {  	vm11 =	vgt.s32 v1, $0x0  }
0x14e: {  	v4 =	vnsel vm11, $0x0, v1;
	v1 =	vld [tilespmem:s9+$0x1ABA0];
	_ =	sdelay $0x1  }
0x14f: {  	vm12 =	vgt.s32 v3, $0xC2FF  }
0x150: {  	v0 =	vsel vm12, v0, v2  }
0x151: {  	v3 =	vld [tilespmem:s9+$0x1CB90];
	[tilespmem:s9+$0x1CB80] =	vst v0  }
0x152: {  	v2 =	vld.idx.msk [tilespmem:v4+s18+$0x0], $0xffff;
	v4 =	vadd.s32 $0xFFFF3D00, v1  }
0x153: {  	vm13 =	vgt.s32 v4, $0x0  }
0x154: {  	v0 =	vld [tilespmem:s9+$0x1ABB0];
	v4 =	vnsel vm13, $0x0, v4;
	_ =	sdelay $0x1  }
0x155: {  	vm14 =	vgt.s32 v5, $0xC2FF  }
0x156: {  	v2 =	vsel vm14, v2, v3  }
0x157: {  	v3 =	vld [tilespmem:s9+$0x1CBA0];
	[tilespmem:s9+$0x1CB90] =	vst v2  }
0x158: {  	v5 =	vadd.s32 $0xFFFF3D00, v0;
	v2 =	vld.idx.msk [tilespmem:v4+s18+$0x0], $0xffff  }
0x159: {  	vm15 =	vgt.s32 v5, $0x0  }
0x15a: {  	s3 =	simm.s32 $0x80;
	s2 =	simm.s32 $0x400;
	v4 =	vnsel vm15, $0x0, v5  }
.LBB2_5:
0x15b: {  	p0 =	sne.s32 s2, $0x7E00;
	v5 =	vld [tilespmem:s3+$0x1AB40]  }
0x15c: {  	vm0 =	vgt.s32 v1, $0xC2FF  }
0x15d: {  	v1 =	vsel vm0, v2, v3  }
0x15e: {  	[tilespmem:s9+$0x1CBA0] =	vst v1  }
0x15f: {  	v1 =	vld.idx.msk [tilespmem:v4+s18+$0x0], $0xffff  }
0x160: {  	v2 =	vadd.s32 $0xFFFF3D00, v5;
	v3 =	vld [tilespmem:s9+$0x1CBB0]  }
0x161: {  	vm0 =	vgt.s32 v2, $0x0  }
0x162: {  	v2 =	vnsel vm0, $0x0, v2  }
0x163: {  	v4 =	vld [tilespmem:s3+$0x1AB50]  }
0x164: {  	vm0 =	vgt.s32 v0, $0xC2FF  }
0x165: {  	v0 =	vsel vm0, v1, v3  }
0x166: {  	[tilespmem:s9+$0x1CBB0] =	vst v0;
	s9 =	smov.u32 s3  }
0x167: {  	v0 =	vld.idx.msk [tilespmem:v2+s18+$0x0], $0xffff  }
0x168: {  	v1 =	vld [tilespmem:s9+$0x1CB40];
	v2 =	vadd.s32 $0xFFFF3D00, v4  }
0x169: {  	vm0 =	vgt.s32 v2, $0x0  }
0x16a: {  	v2 =	vnsel vm0, $0x0, v2  }
0x16b: {  	v3 =	vld [tilespmem:s9+$0x1AB60]  }
0x16c: {  	vm0 =	vgt.s32 v5, $0xC2FF  }
0x16d: {  	v0 =	vsel vm0, v0, v1  }
0x16e: {  	[tilespmem:s9+$0x1CB40] =	vst v0  }
0x16f: {  	v0 =	vld.idx.msk [tilespmem:v2+s18+$0x0], $0xffff  }
0x170: {  	v1 =	vld [tilespmem:s9+$0x1CB50];
	v2 =	vadd.s32 $0xFFFF3D00, v3  }
0x171: {  	vm0 =	vgt.s32 v2, $0x0  }
0x172: {  	v2 =	vnsel vm0, $0x0, v2  }
0x173: {  	v5 =	vld [tilespmem:s9+$0x1AB70]  }
0x174: {  	vm0 =	vgt.s32 v4, $0xC2FF  }
0x175: {  	v0 =	vsel vm0, v0, v1  }
0x176: {  	[tilespmem:s9+$0x1CB50] =	vst v0  }
0x177: {  	v0 =	vld.idx.msk [tilespmem:v2+s18+$0x0], $0xffff  }
0x178: {  	v1 =	vld [tilespmem:s9+$0x1CB60];
	v2 =	vadd.s32 $0xFFFF3D00, v5  }
0x179: {  	vm0 =	vgt.s32 v2, $0x0  }
0x17a: {  	v2 =	vnsel vm0, $0x0, v2  }
0x17b: {  	v4 =	vld [tilespmem:s9+$0x1AB80]  }
0x17c: {  	vm0 =	vgt.s32 v3, $0xC2FF  }
0x17d: {  	v0 =	vsel vm0, v0, v1  }
0x17e: {  	[tilespmem:s9+$0x1CB60] =	vst v0  }
0x17f: {  	v0 =	vld.idx.msk [tilespmem:v2+s18+$0x0], $0xffff  }
0x180: {  	v1 =	vld [tilespmem:s9+$0x1CB70];
	v2 =	vadd.s32 $0xFFFF3D00, v4  }
0x181: {  	vm0 =	vgt.s32 v2, $0x0  }
0x182: {  	v2 =	vnsel vm0, $0x0, v2  }
0x183: {  	v3 =	vld [tilespmem:s9+$0x1AB90]  }
0x184: {  	vm0 =	vgt.s32 v5, $0xC2FF  }
0x185: {  	v0 =	vsel vm0, v0, v1  }
0x186: {  	[tilespmem:s9+$0x1CB70] =	vst v0  }
0x187: {  	v0 =	vld.idx.msk [tilespmem:v2+s18+$0x0], $0xffff  }
0x188: {  	v2 =	vld [tilespmem:s9+$0x1CB80];
	v1 =	vadd.s32 $0xFFFF3D00, v3  }
0x189: {  	vm0 =	vgt.s32 v1, $0x0  }
0x18a: {  	v5 =	vnsel vm0, $0x0, v1  }
0x18b: {  	v1 =	vld [tilespmem:s9+$0x1ABA0]  }
0x18c: {  	vm0 =	vgt.s32 v4, $0xC2FF  }
0x18d: {  	v0 =	vsel vm0, v0, v2  }
0x18e: {  	[tilespmem:s9+$0x1CB80] =	vst v0  }
0x18f: {  	v2 =	vld.idx.msk [tilespmem:v5+s18+$0x0], $0xffff  }
0x190: {  	v4 =	vld [tilespmem:s9+$0x1CB90];
	v0 =	vadd.s32 $0xFFFF3D00, v1  }
0x191: {  	vm0 =	vgt.s32 v0, $0x0  }
0x192: {  	v5 =	vnsel vm0, $0x0, v0  }
0x193: {  	v0 =	vld [tilespmem:s9+$0x1ABB0]  }
0x194: {  	vm0 =	vgt.s32 v3, $0xC2FF  }
0x195: {  	v2 =	vsel vm0, v2, v4  }
.Ltmp5:
0x196: {  	[tilespmem:s9+$0x1CB90] =	vst v2;
	(pc) =	sbr.rel @p0 .LBB2_5-.Ltmp5, $4  }
0x197: {  	v2 =	vld.idx.msk [tilespmem:v5+s18+$0x0], $0xffff  }
0x198: {  	v3 =	vld [tilespmem:s9+$0x1CBA0];
	v4 =	vadd.s32 $0xFFFF3D00, v0  }
0x199: {  	vm0 =	vgt.s32 v4, $0x0  }
0x19a: {  	s3 =	sshra.s32 s2, $0x2;
	s2 =	sadd.s32 $0x200, s2;
	v4 =	vnsel vm0, $0x0, v4  }
0x19b: {  	v5 =	vld [tilespmem:s3+$0x1AB40]  }
0x19c: {  	vm0 =	vgt.s32 v1, $0xC2FF  }
0x19d: {  	v1 =	vsel vm0, v2, v3  }
0x19e: {  	v41 =	vld [tilespmem:s9+$0x1CBB0];
	[tilespmem:s9+$0x1CBA0] =	vst v1  }
0x19f: {  	v1 =	vld.idx.msk [tilespmem:v4+s18+$0x0], $0xffff  }
0x1a0: {  	v40 =	vadd.s32 $0xFFFF3D00, v5  }
0x1a1: {  	vm11 =	vgt.s32 v40, $0x0  }
0x1a2: {  	v42 =	vld [tilespmem:s3+$0x1AB50];
	v2 =	vnsel vm11, $0x0, v40  }
0x1a3: {  	vm12 =	vgt.s32 v0, $0xC2FF  }
0x1a4: {  	v0 =	vsel vm12, v1, v41  }
0x1a5: {  	[tilespmem:s9+$0x1CBB0] =	vst v0  }
0x1a6: {  	v43 =	vld [tilespmem:s3+$0x1CB40]  }
0x1a7: {  	v44 =	vadd.s32 $0xFFFF3D00, v42;
	v0 =	vld.idx.msk [tilespmem:v2+s18+$0x0], $0xffff  }
0x1a8: {  	vm13 =	vgt.s32 v44, $0x0  }
0x1a9: {  	v45 =	vld [tilespmem:s3+$0x1AB60];
	v2 =	vnsel vm13, $0x0, v44;
	_ =	sdelay $0x1  }
0x1aa: {  	vm14 =	vgt.s32 v5, $0xC2FF  }
0x1ab: {  	v0 =	vsel vm14, v0, v43  }
0x1ac: {  	v46 =	vld [tilespmem:s3+$0x1CB50];
	[tilespmem:s3+$0x1CB40] =	vst v0  }
0x1ad: {  	v47 =	vadd.s32 $0xFFFF3D00, v45;
	v0 =	vld.idx.msk [tilespmem:v2+s18+$0x0], $0xffff  }
0x1ae: {  	vm15 =	vgt.s32 v47, $0x0  }
0x1af: {  	v48 =	vld [tilespmem:s3+$0x1AB70];
	v2 =	vnsel vm15, $0x0, v47;
	_ =	sdelay $0x1  }
0x1b0: {  	vm4 =	vgt.s32 v42, $0xC2FF  }
0x1b1: {  	v0 =	vsel vm4, v0, v46  }
0x1b2: {  	v49 =	vld [tilespmem:s3+$0x1CB60];
	[tilespmem:s3+$0x1CB50] =	vst v0  }
0x1b3: {  	v50 =	vadd.s32 $0xFFFF3D00, v48;
	v0 =	vld.idx.msk [tilespmem:v2+s18+$0x0], $0xffff  }
0x1b4: {  	vm5 =	vgt.s32 v50, $0x0  }
0x1b5: {  	v51 =	vld [tilespmem:s3+$0x1AB80];
	v2 =	vnsel vm5, $0x0, v50;
	_ =	sdelay $0x1  }
0x1b6: {  	vm6 =	vgt.s32 v45, $0xC2FF  }
0x1b7: {  	v0 =	vsel vm6, v0, v49  }
0x1b8: {  	v52 =	vld [tilespmem:s3+$0x1CB70];
	[tilespmem:s3+$0x1CB60] =	vst v0  }
0x1b9: {  	v53 =	vadd.s32 $0xFFFF3D00, v51;
	v0 =	vld.idx.msk [tilespmem:v2+s18+$0x0], $0xffff  }
0x1ba: {  	vm7 =	vgt.s32 v53, $0x0  }
0x1bb: {  	v54 =	vld [tilespmem:s3+$0x1AB90];
	v2 =	vnsel vm7, $0x0, v53;
	_ =	sdelay $0x1  }
0x1bc: {  	vm8 =	vgt.s32 v48, $0xC2FF  }
0x1bd: {  	v0 =	vsel vm8, v0, v52  }
0x1be: {  	v55 =	vld [tilespmem:s3+$0x1CB80];
	[tilespmem:s3+$0x1CB70] =	vst v0  }
0x1bf: {  	v56 =	vadd.s32 $0xFFFF3D00, v54;
	v0 =	vld.idx.msk [tilespmem:v2+s18+$0x0], $0xffff  }
0x1c0: {  	vm9 =	vgt.s32 v56, $0x0  }
0x1c1: {  	v57 =	vld [tilespmem:s3+$0x1ABA0];
	v2 =	vnsel vm9, $0x0, v56;
	_ =	sdelay $0x1  }
0x1c2: {  	vm10 =	vgt.s32 v51, $0xC2FF  }
0x1c3: {  	v0 =	vsel vm10, v0, v55  }
0x1c4: {  	v58 =	vld [tilespmem:s3+$0x1CB90];
	[tilespmem:s3+$0x1CB80] =	vst v0  }
0x1c5: {  	v59 =	vadd.s32 $0xFFFF3D00, v57;
	v0 =	vld.idx.msk [tilespmem:v2+s18+$0x0], $0xffff  }
0x1c6: {  	vm11 =	vgt.s32 v59, $0x0  }
0x1c7: {  	v60 =	vld [tilespmem:s3+$0x1ABB0];
	v2 =	vnsel vm11, $0x0, v59;
	_ =	sdelay $0x1  }
0x1c8: {  	vm12 =	vgt.s32 v54, $0xC2FF  }
0x1c9: {  	v0 =	vsel vm12, v0, v58  }
0x1ca: {  	v61 =	vld [tilespmem:s3+$0x1CBA0];
	[tilespmem:s3+$0x1CB90] =	vst v0  }
0x1cb: {  	v62 =	vadd.s32 $0xFFFF3D00, v60;
	v0 =	vld.idx.msk [tilespmem:v2+s18+$0x0], $0xffff  }
0x1cc: {  	vm13 =	vgt.s32 v62, $0x0  }
0x1cd: {  	v2 =	vnsel vm13, $0x0, v62;
	_ =	sdelay $0x1  }
0x1ce: {  	vm14 =	vgt.s32 v57, $0xC2FF  }
0x1cf: {  	v0 =	vsel vm14, v0, v61  }
0x1d0: {  	v63 =	vld [tilespmem:s3+$0x1CBB0];
	[tilespmem:s3+$0x1CBA0] =	vst v0  }
0x1d1: {  	v0 =	vld.idx.msk [tilespmem:v2+s18+$0x0], $0xffff;
	_ =	sdelay $0x3  }
0x1d2: {  	vm15 =	vgt.s32 v60, $0xC2FF  }
0x1d3: {  	v0 =	vsel vm15, v0, v63  }
0x1d4: {  	[tilespmem:s3+$0x1CBB0] =	vst v0  }
0x1d5: {  	[spmem:s22] =	stream.strided.scatter [tilespmem:s21], [sflag:$0x4], $0x2000, s17, s16, $0x38;
	[tilespmem:$0x1EB40] =	vst v63  }
0x1d6: {  	_ =	swait.ge [sflag:s15], $0x2000  }
0x1d7: {  	[sflag:s15] =	ssyncset.done $0x0  }
0x1d8: {  	[sflag:s15] =	ssyncadd.s32 $0xFFFFE000  }
0x1d9: {  	[bflag:$0x0] =	sbarrier.arrive $0xFFFF  }
0x1da: {  	s2 =	sld [smem:$0x7FD];
	_ =	sdelay $0x2  }
0x1db: {  	p0 =	seq.s32 s2, $0x1  }
.Ltmp6:
0x1dc: {  	_ = 	snop;
	(pc) =	sbr.rel @!p0 .LBB2_7-.Ltmp6, $1  }
0x1dd: {  	_ =	sdelay $0x3  }
0x1de: {  	s25 =	sadd.s32 $0x1, s25  }
0x1df: {  	p0 =	seq.s32 s25, $0x34  }
.Ltmp7:
0x1e0: {  	_ = 	snop;
	(pc) =	sbr.rel @!p0 .LBB2_2-.Ltmp7, $4  }
.Ltmp8:
0x1e1: {  	_ = 	snop;
	(pc) =	sbr.rel @p0 .LBB2_9-.Ltmp8, $4  }
0x1e2: {  	_ = 	snop  }
0x1e3: {  	_ = 	snop  }
0x1e4: {  	_ = 	snop  }
0x1e5: {  	_ = 	snop  }
.LBB2_10:
0x1e6: {  	_ =	sfence.sel $0x180000  }
0x1e7: {  	[bflag:$0x0] =	sbarrier.arrive $0xFFFF  }
0x1e8: {  	_ =	strace $0x90000047  }
0x1e9: {  	[bflag:$0x2] =	sbarrier.arrive $0xFFFF  }
0x1ea: {  	s1 =	sld [smem:$0x7FD];
	_ =	sdelay $0x2  }
0x1eb: {  	s0 =	rddreg [dreg:$0x5];
	p0 =	seq.s32 s1, $0x1  }
0x1ec: {  	s0 =	sadd.s32 @!p0 $0x100000, s0  }
0x1ed: {  	[sflag:s0] =	ssyncadd.tile.s32 @!p0 $0x1;
	_ =	shalt  }
.Lfunc_end2:
_tile_overlayer_lowered:
.L_overlay_start_2:
0x1ee: {  	(tag) =	ssettag $0x2  }
0x1ef: {  	s0 =	rddreg [dreg:$0x0];
	s2 =	stileid.u32  }
0x1f0: {  	s1 =	rddreg [dreg:$0x1];
	p0 =	sne.s32 s2, $0x0  }
0x1f1: {  	s3 =	rddreg [dreg:$0x2];
	[bflag:$0x3] =	sbarrier.arrive $0xFFFF;
	s2 =	simm.s32 @!p0 $0x1C04  }
0x1f2: {  	[timem:s3], [sflag:s2] =	dma.local @!p0 [hbm:s0], s1  }
0x1f3: {  	s0 =	simm.s32 @!p0 $0x4  }
0x1f4: {  	_ =	swait.ge @!p0 [sflag:s0], s1  }
0x1f5: {  	s1 =	ssub.s32 @!p0 $0x0, s1;
	[sflag:s0] =	ssyncset.done @!p0 $0x0  }
0x1f6: {  	[sflag:s0] =	ssyncadd.s32 @!p0 s1  }
0x1f7: {  	[bflag:$0x3] =	sbarrier.arrive $0xFFFF  }
0x1f8: {  	_ =	shalt  }

</sc_bundles>
